<compile_context>
chip_gen: v7x
topology: tpu7x:2x2x1
jax: 0.10.2.dev20260603
libtpu: 0.0.44.dev20260713+nightly
codegen_flags: <defaults>
</compile_context>

<pallas_src>
import functools

import jax
import jax.numpy as jnp
from jax import lax
from jax.experimental import pallas as pl
from jax.experimental.pallas import tpu as pltpu
from jax.experimental.pallas import tpu_sc as plsc

_EPS = 1e-5
_KS = 112
_KU = 96


def _gn(x, g, b):
    mu = jnp.mean(x, axis=1, keepdims=True)
    var = jnp.mean((x - mu) ** 2, axis=1, keepdims=True)
    return (x - mu) * jax.lax.rsqrt(var + _EPS) * g + b


def _pre_body(agts_ref, ctx_ref, w_qT_ref, g_q_ref, be_q_ref, wqT_ref,
              wcT_ref, w_agtT_ref, qh_ref, ch_ref, agt_lin_ref):
    agts = agts_ref[...]
    ctx = ctx_ref[...]
    q = jnp.dot(agts, w_qT_ref[...], preferred_element_type=jnp.float32)
    q = jax.nn.relu(_gn(q, g_q_ref[...], be_q_ref[...]))
    qh_ref[...] = jnp.dot(q, wqT_ref[...], preferred_element_type=jnp.float32)
    ch_ref[...] = jnp.dot(ctx, wcT_ref[...], preferred_element_type=jnp.float32)
    agt_lin_ref[...] = jnp.dot(agts, w_agtT_ref[...],
                               preferred_element_type=jnp.float32)


def _build_neighbors(ax, ay, cx, cy, th2_arr):
    N = ax.shape[0]
    KS, KU = _KS, _KU
    ncores, nsub, L = 2, 16, 16
    NW = ncores * nsub
    APW = N // NW
    SLOTS = APW * KS
    mesh = plsc.VectorSubcoreMesh(core_axis_name="c", subcore_axis_name="s")

    @functools.partial(
        pl.kernel, mesh=mesh,
        out_type=[jax.ShapeDtypeStruct((N * KS,), jnp.int32),
                  jax.ShapeDtypeStruct((N * KS,), jnp.float32),
                  jax.ShapeDtypeStruct((N * KS,), jnp.float32),
                  jax.ShapeDtypeStruct((N * KS,), jnp.float32)],
        scratch_types=[pltpu.VMEM((N,), jnp.float32),
                       pltpu.VMEM((N,), jnp.float32),
                       pltpu.VMEM((N + L,), jnp.float32),
                       pltpu.VMEM((N + L,), jnp.float32),
                       pltpu.VMEM((L,), jnp.float32),
                       pltpu.VMEM((SLOTS,), jnp.int32),
                       pltpu.VMEM((SLOTS,), jnp.float32),
                       pltpu.VMEM((SLOTS,), jnp.float32),
                       pltpu.VMEM((SLOTS,), jnp.float32)],
        compiler_params=pltpu.CompilerParams(needs_layout_passes=False),
    )
    def build(ax_h, ay_h, cx_h, cy_h, th2_h, jo_h, dxo_h, dyo_h, vo_h,
              cx_v, cy_v, ax_v, ay_v, th2_v, j_b, dx_b, dy_b, v_b):
        wid = lax.axis_index("s") * ncores + lax.axis_index("c")
        pltpu.sync_copy(cx_h, cx_v)
        pltpu.sync_copy(cy_h, cy_v)
        pltpu.sync_copy(ax_h, ax_v.at[pl.ds(0, N)])
        pltpu.sync_copy(ay_h, ay_v.at[pl.ds(0, N)])
        pltpu.sync_copy(th2_h, th2_v)
        th2v = th2_v[...]
        zf = jnp.zeros((L,), jnp.float32)
        zi = jnp.zeros((L,), jnp.int32)

        def zero_body(i, carry):
            j_b[pl.ds(i * L, L)] = zi
            dx_b[pl.ds(i * L, L)] = zf
            dy_b[pl.ds(i * L, L)] = zf
            return carry

        lax.fori_loop(0, SLOTS // L, zero_body, 0)
        lane = lax.iota(jnp.int32, L)

        def agent_body(a, carry):
            ag = wid * APW + a
            ax_s = ax_v[pl.ds(ag, L)][0]
            ay_s = ay_v[pl.ds(ag, L)][0]
            axv = jnp.full((L,), ax_s, jnp.float32)
            ayv = jnp.full((L,), ay_s, jnp.float32)
            sbase = a * KS

            def chunk_body(cb, ptr):
                cxc = cx_v[pl.ds(cb * L, L)]
                cyc = cy_v[pl.ds(cb * L, L)]
                dx = axv - cxc
                dy = ayv - cyc
                m = (dx * dx + dy * dy) <= th2v
                vals = jnp.full((L,), cb * L, jnp.int32) + lane
                off = sbase + jnp.minimum(ptr, KU)
                plsc.store_compressed(j_b.at[pl.ds(off, L)], vals, mask=m)
                plsc.store_compressed(dx_b.at[pl.ds(off, L)], dx, mask=m)
                plsc.store_compressed(dy_b.at[pl.ds(off, L)], dy, mask=m)
                pc = plsc.all_reduce_population_count(m)[0]
                return ptr + pc

            ptrf = lax.fori_loop(0, N // L, chunk_body, jnp.int32(0))
            cntv = jnp.full((L,), jnp.minimum(ptrf, KU), jnp.int32)
            for w in range(KS // L):
                base_w = jnp.full((L,), w * L, jnp.int32) + lane
                v_b[pl.ds(sbase + w * L, L)] = (base_w < cntv).astype(
                    jnp.float32)
            return carry

        lax.fori_loop(0, APW, agent_body, 0)
        out0 = wid * SLOTS
        pltpu.sync_copy(j_b, jo_h.at[pl.ds(out0, SLOTS)])
        pltpu.sync_copy(dx_b, dxo_h.at[pl.ds(out0, SLOTS)])
        pltpu.sync_copy(dy_b, dyo_h.at[pl.ds(out0, SLOTS)])
        pltpu.sync_copy(v_b, vo_h.at[pl.ds(out0, SLOTS)])

    return build(ax, ay, cx, cy, th2_arr)


def _gather_rows(tbl, idx):
    NT, D = tbl.shape
    B = idx.shape[0]
    ncores = 2
    NW = ncores * 16
    bpw = B // NW
    CH = 512
    NCH = bpw // CH
    mesh = plsc.VectorSubcoreMesh(core_axis_name="c", subcore_axis_name="s")

    nsub = 16
    rps = NT // nsub

    @functools.partial(
        pl.kernel, mesh=mesh,
        out_type=jax.ShapeDtypeStruct((B, D), jnp.float32),
        scratch_types=[pltpu.VMEM((bpw,), jnp.int32),
                       pltpu.VMEM((CH, D), jnp.float32),
                       pltpu.VMEM_SHARED((NT, D), jnp.float32),
                       pltpu.SemaphoreType.DMA],
        compiler_params=pltpu.CompilerParams(needs_layout_passes=False),
    )
    def gk(tbl_h, idx_h, out_h, idx_v, rows_v, tbl_sh, sem):
        wid = lax.axis_index("s") * ncores + lax.axis_index("c")
        sid = lax.axis_index("s")
        base = wid * bpw
        pltpu.sync_copy(tbl_h.at[pl.ds(sid * rps, rps)],
                        tbl_sh.at[pl.ds(sid * rps, rps)])
        pltpu.sync_copy(idx_h.at[pl.ds(base, bpw)], idx_v)
        plsc.subcore_barrier()

        def body(t, carry):
            off = t * CH
            pltpu.async_copy(tbl_sh.at[idx_v.at[pl.ds(off, CH)]], rows_v,
                             sem).wait()
            pltpu.sync_copy(rows_v, out_h.at[pl.ds(base + off, CH)])
            return carry

        lax.fori_loop(0, NCH, body, 0)

    return gk(tbl, idx)


def _main_body(dx_ref, dy_ref, v_ref, chg_ref, qh_ref, w1x_ref, w1y_ref,
               b1_ref, w_dist2T_ref, g_dist_ref, be_dist_ref, wdT_ref,
               g_c1_ref, be_c1_ref, acc_ref):
    R = dx_ref.shape[0]
    BA = qh_ref.shape[0]
    K = R // BA
    dx = dx_ref[...]
    dy = dy_ref[...]
    d1 = jax.nn.relu(dx * w1x_ref[...] + dy * w1y_ref[...] + b1_ref[...])
    t = jnp.dot(d1, w_dist2T_ref[...], preferred_element_type=jnp.float32)
    d2 = jax.nn.relu(_gn(t, g_dist_ref[...], be_dist_ref[...]))
    seg = lax.broadcasted_iota(jnp.int32, (R, BA), 0) // K
    col = lax.broadcasted_iota(jnp.int32, (R, BA), 1)
    ind = (seg == col).astype(jnp.float32)
    qrows = jnp.dot(ind, qh_ref[...], preferred_element_type=jnp.float32)
    h = jnp.dot(d2, wdT_ref[...], preferred_element_type=jnp.float32)
    h = h + chg_ref[...] + qrows
    c = jax.nn.relu(_gn(h, g_c1_ref[...], be_c1_ref[...]))
    sel = ind * v_ref[...]
    acc_ref[...] = lax.dot_general(sel, c, (((0,), (0,)), ((), ())),
                                   preferred_element_type=jnp.float32)


def _epi_body(acc_ref, agt_lin_ref, agts_ref, w_c2T_ref, g_n_ref, be_n_ref,
              w_linT_ref, g_lin_ref, be_lin_ref, out_ref):
    msg = jnp.dot(acc_ref[...], w_c2T_ref[...],
                  preferred_element_type=jnp.float32)
    a = agt_lin_ref[...] + msg
    a = jax.nn.relu(_gn(a, g_n_ref[...], be_n_ref[...]))
    a = _gn(jnp.dot(a, w_linT_ref[...], preferred_element_type=jnp.float32),
            g_lin_ref[...], be_lin_ref[...])
    a = a + agts_ref[...]
    out_ref[...] = jax.nn.relu(a)


def kernel(agts, ctx, agt_ctrs, ctx_ctrs, w_dist1, b_dist1, w_dist2, g_dist,
           be_dist, w_q, g_q, be_q, w_c1, g_c1, be_c1, w_c2, w_agt, g_n, be_n,
           w_lin, g_lin, be_lin, dist_th):
    N, D = agts.shape
    K = _KS
    f32 = jnp.float32

    wdT = w_c1[:, :D].T
    wqT = w_c1[:, D:2 * D].T
    wcT = w_c1[:, 2 * D:].T
    w_qT = w_q.T
    w_agtT = w_agt.T
    w_dist2T = w_dist2.T
    w_c2T = w_c2.T
    w_linT = w_lin.T
    w1x = w_dist1[:, 0].reshape(1, D)
    w1y = w_dist1[:, 1].reshape(1, D)
    b1 = b_dist1.reshape(1, D)
    row = lambda v: v.reshape(1, D)
    th = jnp.asarray(dist_th, f32)
    th2_arr = jnp.full((16,), th * th, f32)
    ax = agt_ctrs[:, 0].astype(f32)
    ay = agt_ctrs[:, 1].astype(f32)
    cx = ctx_ctrs[:, 0].astype(f32)
    cy = ctx_ctrs[:, 1].astype(f32)

    BP = min(256, N)
    full = lambda shp: pl.BlockSpec(shp, lambda i: (0, 0))
    blk = lambda r: pl.BlockSpec((r, D), lambda i: (i, 0))
    qh, ch, agt_lin = pl.pallas_call(
        _pre_body,
        grid=(N // BP,),
        in_specs=[blk(BP), blk(BP), full((D, D)), full((1, D)), full((1, D)),
                  full((D, D)), full((D, D)), full((D, D))],
        out_specs=[blk(BP), blk(BP), blk(BP)],
        out_shape=[jax.ShapeDtypeStruct((N, D), f32)] * 3,
    )(agts, ctx, w_qT, row(g_q), row(be_q), wqT, wcT, w_agtT)

    nbr_j, nbr_dx, nbr_dy, nbr_v = _build_neighbors(ax, ay, cx, cy, th2_arr)

    chg = _gather_rows(ch, nbr_j)

    BA = 8
    RR = BA * K
    col1 = lambda: pl.BlockSpec((RR, 1), lambda i: (i, 0))
    acc = pl.pallas_call(
        _main_body,
        grid=(N // BA,),
        in_specs=[
            col1(), col1(), col1(),
            pl.BlockSpec((RR, D), lambda i: (i, 0)),
            pl.BlockSpec((BA, D), lambda i: (i, 0)),
            full((1, D)), full((1, D)), full((1, D)), full((D, D)),
            full((1, D)), full((1, D)), full((D, D)), full((1, D)),
            full((1, D)),
        ],
        out_specs=pl.BlockSpec((BA, D), lambda i: (i, 0)),
        out_shape=jax.ShapeDtypeStruct((N, D), f32),
    )(nbr_dx.reshape(N * K, 1), nbr_dy.reshape(N * K, 1),
      nbr_v.reshape(N * K, 1), chg, qh, w1x, w1y, b1, w_dist2T,
      row(g_dist), row(be_dist), wdT, row(g_c1), row(be_c1))

    out = pl.pallas_call(
        _epi_body,
        grid=(N // BP,),
        in_specs=[blk(BP), blk(BP), blk(BP), full((D, D)), full((1, D)),
                  full((1, D)), full((D, D)), full((1, D)), full((1, D))],
        out_specs=blk(BP),
        out_shape=jax.ShapeDtypeStruct((N, D), f32),
    )(acc, agt_lin, agts, w_c2T, row(g_n), row(be_n), w_linT, row(g_lin),
      row(be_lin))
    return out

# --- scband reference (transcript-rebuilt; emitter-appended) ---
"""Pipeline reference for scband-net-88201448390736 (READ-ONLY COPY).

The authoritative reference and input builder live on the scoring server;
editing this copy changes nothing except your own understanding.
"""

import jax, jax.numpy as jnp
import numpy as np


def _gn(x, gamma, beta, eps=1e-5):
    # GroupNorm with 1 group over feature dim for [N, C] tensors
    mu = jnp.mean(x, axis=1, keepdims=True)
    var = jnp.mean((x - mu) ** 2, axis=1, keepdims=True)
    return (x - mu) / jnp.sqrt(var + eps) * gamma + beta


def setup_inputs(seed: int = 0) -> dict:
    key = jax.random.key(seed)
    ks = jax.random.split(key, 32)
    N, D = 4096, 128
    s = 0.05
    inp = {}
    inp['agts'] = jax.random.normal(ks[0], (N, D), dtype=jnp.float32)
    inp['ctx'] = jax.random.normal(ks[1], (N, D), dtype=jnp.float32)
    inp['agt_ctrs'] = jax.random.uniform(ks[2], (N, 2), dtype=jnp.float32) * 1000.0
    inp['ctx_ctrs'] = jax.random.uniform(ks[3], (N, 2), dtype=jnp.float32) * 1000.0
    # dist MLP: Linear(2, D) + bias, then Linear(D, D, norm=GN)
    inp['w_dist1'] = jax.random.normal(ks[4], (D, 2), dtype=jnp.float32) * s
    inp['b_dist1'] = jnp.zeros((D,), dtype=jnp.float32)
    inp['w_dist2'] = jax.random.normal(ks[5], (D, D), dtype=jnp.float32) * s
    inp['g_dist'] = jnp.ones((D,), dtype=jnp.float32)
    inp['be_dist'] = jnp.zeros((D,), dtype=jnp.float32)
    # query: Linear(D, D, norm=GN)
    inp['w_q'] = jax.random.normal(ks[6], (D, D), dtype=jnp.float32) * s
    inp['g_q'] = jnp.ones((D,), dtype=jnp.float32)
    inp['be_q'] = jnp.zeros((D,), dtype=jnp.float32)
    # ctx net: Linear(3D, D, norm=GN) then Linear(D, D, bias=False)
    inp['w_c1'] = jax.random.normal(ks[7], (D, 3 * D), dtype=jnp.float32) * s
    inp['g_c1'] = jnp.ones((D,), dtype=jnp.float32)
    inp['be_c1'] = jnp.zeros((D,), dtype=jnp.float32)
    inp['w_c2'] = jax.random.normal(ks[8], (D, D), dtype=jnp.float32) * s
    # agt: Linear(D, D, bias=False)
    inp['w_agt'] = jax.random.normal(ks[9], (D, D), dtype=jnp.float32) * s
    # post-scatter GroupNorm
    inp['g_n'] = jnp.ones((D,), dtype=jnp.float32)
    inp['be_n'] = jnp.zeros((D,), dtype=jnp.float32)
    # final linear: Linear(D, D, norm=GN, act=False)
    inp['w_lin'] = jax.random.normal(ks[10], (D, D), dtype=jnp.float32) * s
    inp['g_lin'] = jnp.ones((D,), dtype=jnp.float32)
    inp['be_lin'] = jnp.zeros((D,), dtype=jnp.float32)
    inp['dist_th'] = 50
    return inp


def reference(agts, ctx, agt_ctrs, ctx_ctrs, w_dist1, b_dist1, w_dist2, g_dist, be_dist, w_q, g_q, be_q, w_c1, g_c1, be_c1, w_c2, w_agt, g_n, be_n, w_lin, g_lin, be_lin, dist_th):
    res = agts

    def body(carry, xs):
        ctr_i, agt_i = xs
        # per-pair offsets and Euclidean distances for this agent vs all ctx
        diff = ctr_i[None, :] - ctx_ctrs
        dist = jnp.sqrt(jnp.sum(diff ** 2, axis=1))
        m = (dist <= dist_th)[:, None]
        # per-pair distance embedding
        d = jax.nn.relu(diff @ w_dist1.T + b_dist1)
        d = jax.nn.relu(_gn(d @ w_dist2.T, g_dist, be_dist))
        # per-pair query (identical across this agent's pairs)
        q = jax.nn.relu(_gn(agt_i[None, :] @ w_q.T, g_q, be_q))
        q = jnp.broadcast_to(q, ctx.shape)
        # gathered context + fusion MLP
        c = jnp.concatenate([d, q, ctx], axis=1)
        c = jax.nn.relu(_gn(c @ w_c1.T, g_c1, be_c1))
        c = c @ w_c2.T
        # aggregate messages within distance threshold
        msg = jnp.sum(jnp.where(m, c, 0.0), axis=0)
        return carry, msg

    _, msgs = jax.lax.scan(body, None, (agt_ctrs, agts))
    # add messages to agents
    a = agts @ w_agt.T
    a = a + msgs
    a = jax.nn.relu(_gn(a, g_n, be_n))
    a = _gn(a @ w_lin.T, g_lin, be_lin)
    a = a + res
    a = jax.nn.relu(a)
    return a

if __name__ == "__main__":
    import jax
    _d = setup_inputs()
    print(jax.jit(kernel)(*tuple(_d.values())))

</pallas_src>

<mosaic_0001>
#map = affine_map<(d0, d1) -> (0)>
module attributes {stable_mosaic.version = 14 : i64} {
  func.func @build(%arg0: i32, %arg1: i32, %arg2: memref<4096xf32, #tpu.memory_space<hbm>>, %arg3: memref<4096xf32, #tpu.memory_space<hbm>>, %arg4: memref<4096xf32, #tpu.memory_space<hbm>>, %arg5: memref<4096xf32, #tpu.memory_space<hbm>>, %arg6: memref<16xf32, #tpu.memory_space<hbm>>, %arg7: memref<458752xi32, #tpu.memory_space<hbm>>, %arg8: memref<458752xf32, #tpu.memory_space<hbm>>, %arg9: memref<458752xf32, #tpu.memory_space<hbm>>, %arg10: memref<458752xf32, #tpu.memory_space<hbm>>, %arg11: memref<4096xf32, #tpu.memory_space<vmem>>, %arg12: memref<4096xf32, #tpu.memory_space<vmem>>, %arg13: memref<4112xf32, #tpu.memory_space<vmem>>, %arg14: memref<4112xf32, #tpu.memory_space<vmem>>, %arg15: memref<16xf32, #tpu.memory_space<vmem>>, %arg16: memref<14336xi32, #tpu.memory_space<vmem>>, %arg17: memref<14336xf32, #tpu.memory_space<vmem>>, %arg18: memref<14336xf32, #tpu.memory_space<vmem>>, %arg19: memref<14336xf32, #tpu.memory_space<vmem>>) attributes {dimension_semantics = [#tpu.dimension_semantics<core_parallel>, #tpu.dimension_semantics<subcore_parallel>], iteration_bounds = array<i64: 2, 16>, scalar_prefetch = 0 : i64, scratch_operands = 9 : i64, tpu.core_type = #tpu.core_type<sc_vector_subcore>, window_params = [{transform_indices = #map}, {transform_indices = #map}, {transform_indices = #map}, {transform_indices = #map}, {transform_indices = #map}, {transform_indices = #map}, {transform_indices = #map}, {transform_indices = #map}, {transform_indices = #map}]} {
    %mul3A = arith.constant 2 : i32
    %mul3A_0 = arith.muli %arg1, %mul3A : i32
    %add3A = arith.addi %mul3A_0, %arg0 : i32
    "tpu.region"() ({
      %run_scoped3A = tpu.sem_alloc : memref<!tpu.dma_semaphore, #tpu.memory_space<semaphore_mem>>
      tpu.enqueue_dma source(%arg4 : memref<4096xf32, #tpu.memory_space<hbm>>) target(%arg11 : memref<4096xf32, #tpu.memory_space<vmem>>) target_semaphore(%run_scoped3A : memref<!tpu.dma_semaphore, #tpu.memory_space<semaphore_mem>>)
      tpu.wait_dma2 semaphore(%run_scoped3A : memref<!tpu.dma_semaphore, #tpu.memory_space<semaphore_mem>>) src(%arg4 : memref<4096xf32, #tpu.memory_space<hbm>>) dst(%arg11 : memref<4096xf32, #tpu.memory_space<vmem>>)
      tpu.yield
    }) : () -> ()
    "tpu.region"() ({
      %run_scoped3A = tpu.sem_alloc : memref<!tpu.dma_semaphore, #tpu.memory_space<semaphore_mem>>
      tpu.enqueue_dma source(%arg5 : memref<4096xf32, #tpu.memory_space<hbm>>) target(%arg12 : memref<4096xf32, #tpu.memory_space<vmem>>) target_semaphore(%run_scoped3A : memref<!tpu.dma_semaphore, #tpu.memory_space<semaphore_mem>>)
      tpu.wait_dma2 semaphore(%run_scoped3A : memref<!tpu.dma_semaphore, #tpu.memory_space<semaphore_mem>>) src(%arg5 : memref<4096xf32, #tpu.memory_space<hbm>>) dst(%arg12 : memref<4096xf32, #tpu.memory_space<vmem>>)
      tpu.yield
    }) : () -> ()
    "tpu.region"() ({
      %run_scoped3A = tpu.sem_alloc : memref<!tpu.dma_semaphore, #tpu.memory_space<semaphore_mem>>
      %dma_start3A = arith.constant 0 : i32
      %dma_start3A_18 = tpu.memref_slice %arg13[%dma_start3A] : memref<4112xf32, #tpu.memory_space<vmem>> -> memref<4096xf32, #tpu.memory_space<vmem>>
      %dma_start3A_19 = arith.constant 0 : i32
      %dma_start3A_20 = tpu.memref_slice %arg13[%dma_start3A_19] : memref<4112xf32, #tpu.memory_space<vmem>> -> memref<4096xf32, #tpu.memory_space<vmem>>
      tpu.enqueue_dma source(%arg2 : memref<4096xf32, #tpu.memory_space<hbm>>) target(%dma_start3A_20 : memref<4096xf32, #tpu.memory_space<vmem>>) target_semaphore(%run_scoped3A : memref<!tpu.dma_semaphore, #tpu.memory_space<semaphore_mem>>)
      %dma_wait3A = arith.constant 0 : i32
      %dma_wait3A_21 = tpu.memref_slice %arg13[%dma_wait3A] : memref<4112xf32, #tpu.memory_space<vmem>> -> memref<4096xf32, #tpu.memory_space<vmem>>
      %dma_wait3A_22 = arith.constant 0 : i32
      %dma_wait3A_23 = tpu.memref_slice %arg13[%dma_wait3A_22] : memref<4112xf32, #tpu.memory_space<vmem>> -> memref<4096xf32, #tpu.memory_space<vmem>>
      tpu.wait_dma2 semaphore(%run_scoped3A : memref<!tpu.dma_semaphore, #tpu.memory_space<semaphore_mem>>) src(%arg2 : memref<4096xf32, #tpu.memory_space<hbm>>) dst(%dma_wait3A_23 : memref<4096xf32, #tpu.memory_space<vmem>>)
      tpu.yield
    }) : () -> ()
    "tpu.region"() ({
      %run_scoped3A = tpu.sem_alloc : memref<!tpu.dma_semaphore, #tpu.memory_space<semaphore_mem>>
      %dma_start3A = arith.constant 0 : i32
      %dma_start3A_18 = tpu.memref_slice %arg14[%dma_start3A] : memref<4112xf32, #tpu.memory_space<vmem>> -> memref<4096xf32, #tpu.memory_space<vmem>>
      %dma_start3A_19 = arith.constant 0 : i32
      %dma_start3A_20 = tpu.memref_slice %arg14[%dma_start3A_19] : memref<4112xf32, #tpu.memory_space<vmem>> -> memref<4096xf32, #tpu.memory_space<vmem>>
      tpu.enqueue_dma source(%arg3 : memref<4096xf32, #tpu.memory_space<hbm>>) target(%dma_start3A_20 : memref<4096xf32, #tpu.memory_space<vmem>>) target_semaphore(%run_scoped3A : memref<!tpu.dma_semaphore, #tpu.memory_space<semaphore_mem>>)
      %dma_wait3A = arith.constant 0 : i32
      %dma_wait3A_21 = tpu.memref_slice %arg14[%dma_wait3A] : memref<4112xf32, #tpu.memory_space<vmem>> -> memref<4096xf32, #tpu.memory_space<vmem>>
      %dma_wait3A_22 = arith.constant 0 : i32
      %dma_wait3A_23 = tpu.memref_slice %arg14[%dma_wait3A_22] : memref<4112xf32, #tpu.memory_space<vmem>> -> memref<4096xf32, #tpu.memory_space<vmem>>
      tpu.wait_dma2 semaphore(%run_scoped3A : memref<!tpu.dma_semaphore, #tpu.memory_space<semaphore_mem>>) src(%arg3 : memref<4096xf32, #tpu.memory_space<hbm>>) dst(%dma_wait3A_23 : memref<4096xf32, #tpu.memory_space<vmem>>)
      tpu.yield
    }) : () -> ()
    "tpu.region"() ({
      %run_scoped3A = tpu.sem_alloc : memref<!tpu.dma_semaphore, #tpu.memory_space<semaphore_mem>>
      tpu.enqueue_dma source(%arg6 : memref<16xf32, #tpu.memory_space<hbm>>) target(%arg15 : memref<16xf32, #tpu.memory_space<vmem>>) target_semaphore(%run_scoped3A : memref<!tpu.dma_semaphore, #tpu.memory_space<semaphore_mem>>)
      tpu.wait_dma2 semaphore(%run_scoped3A : memref<!tpu.dma_semaphore, #tpu.memory_space<semaphore_mem>>) src(%arg6 : memref<16xf32, #tpu.memory_space<hbm>>) dst(%arg15 : memref<16xf32, #tpu.memory_space<vmem>>)
      tpu.yield
    }) : () -> ()
    %get3A = arith.constant 0 : index
    %get3A_1 = tpu.vector_load %arg15[%get3A] {strides = array<i32>} : memref<16xf32, #tpu.memory_space<vmem>>, vector<16xf32>,
    %broadcast_in_dim3A = arith.constant 0.000000e+00 : f32
    %broadcast_in_dim3A_2 = vector.broadcast %broadcast_in_dim3A : f32 to vector<16xf32>
    %broadcast_in_dim3A_3 = arith.constant 0 : i32
    %broadcast_in_dim3A_4 = vector.broadcast %broadcast_in_dim3A_3 : i32 to vector<16xi32>
    %scan3A = arith.constant 0 : i32
    %scan3A_5 = arith.constant 0 : i32
    %scan3A_6 = arith.constant 896 : i32
    %scan3A_7 = arith.addi %scan3A_5, %scan3A_6 : i32
    %scan3A_8 = arith.constant 1 : i32
    scf.for %scan3A_18 = %scan3A_5 to %scan3A_7 step %scan3A_8  : i32 {
      %mul3A_19 = arith.constant 16 : i32
      %mul3A_20 = arith.muli %scan3A_18, %mul3A_19 : i32
      %swap3A = arith.index_cast %mul3A_20 : i32 to index
      %swap3A_21 = tpu.vector_load %arg16[%swap3A] {strides = array<i32>} : memref<14336xi32, #tpu.memory_space<vmem>>, vector<16xi32>,
      tpu.vector_store %arg16[%swap3A], %broadcast_in_dim3A_4 {strides = array<i32>} : memref<14336xi32, #tpu.memory_space<vmem>>, vector<16xi32>,
      %mul3A_22 = arith.constant 16 : i32
      %mul3A_23 = arith.muli %scan3A_18, %mul3A_22 : i32
      %swap3A_24 = arith.index_cast %mul3A_23 : i32 to index
      %swap3A_25 = tpu.vector_load %arg17[%swap3A_24] {strides = array<i32>} : memref<14336xf32, #tpu.memory_space<vmem>>, vector<16xf32>,
      tpu.vector_store %arg17[%swap3A_24], %broadcast_in_dim3A_2 {strides = array<i32>} : memref<14336xf32, #tpu.memory_space<vmem>>, vector<16xf32>,
      %mul3A_26 = arith.constant 16 : i32
      %mul3A_27 = arith.muli %scan3A_18, %mul3A_26 : i32
      %swap3A_28 = arith.index_cast %mul3A_27 : i32 to index
      %swap3A_29 = tpu.vector_load %arg18[%swap3A_28] {strides = array<i32>} : memref<14336xf32, #tpu.memory_space<vmem>>, vector<16xf32>,
      tpu.vector_store %arg18[%swap3A_28], %broadcast_in_dim3A_2 {strides = array<i32>} : memref<14336xf32, #tpu.memory_space<vmem>>, vector<16xf32>,
    }
    %scan3A_9 = arith.constant 896 : i32
    %iota3A = tpu.iota {dimensions = array<i32: 0>} : vector<16xi32>
    %scan3A_10 = arith.constant 0 : i32
    %scan3A_11 = arith.constant 0 : i32
    %scan3A_12 = arith.constant 128 : i32
    %scan3A_13 = arith.addi %scan3A_11, %scan3A_12 : i32
    %scan3A_14 = arith.constant 1 : i32
    scf.for %scan3A_18 = %scan3A_11 to %scan3A_13 step %scan3A_14  : i32 {
      %mul3A_19 = arith.constant 128 : i32
      %mul3A_20 = arith.muli %add3A, %mul3A_19 : i32
      %add3A_21 = arith.addi %mul3A_20, %scan3A_18 : i32
      %get3A_22 = arith.index_cast %add3A_21 : i32 to index
      %get3A_23 = tpu.vector_load %arg13[%get3A_22] {strides = array<i32>} : memref<4112xf32, #tpu.memory_space<vmem>>, vector<16xf32>,
      %slice3A = vector.extract_strided_slice %get3A_23 {offsets = [0], sizes = [1], strides = [1]} : vector<16xf32> to vector<1xf32>
      %squeeze3A = vector.extract %slice3A[0] : f32 from vector<1xf32>
      %get3A_24 = arith.index_cast %add3A_21 : i32 to index
      %get3A_25 = tpu.vector_load %arg14[%get3A_24] {strides = array<i32>} : memref<4112xf32, #tpu.memory_space<vmem>>, vector<16xf32>,
      %slice3A_26 = vector.extract_strided_slice %get3A_25 {offsets = [0], sizes = [1], strides = [1]} : vector<16xf32> to vector<1xf32>
      %squeeze3A_27 = vector.extract %slice3A_26[0] : f32 from vector<1xf32>
      %broadcast_in_dim3A_28 = vector.broadcast %squeeze3A : f32 to vector<16xf32>
      %broadcast_in_dim3A_29 = vector.broadcast %squeeze3A_27 : f32 to vector<16xf32>
      %mul3A_30 = arith.constant 112 : i32
      %mul3A_31 = arith.muli %scan3A_18, %mul3A_30 : i32
      %scan3A_32 = arith.constant 0 : i32
      %scan3A_33 = arith.constant 0 : i32
      %scan3A_34 = arith.constant 256 : i32
      %scan3A_35 = arith.addi %scan3A_33, %scan3A_34 : i32
      %scan3A_36 = arith.constant 1 : i32
      %scan3A_37 = scf.for %scan3A_108 = %scan3A_33 to %scan3A_35 step %scan3A_36 iter_args(%scan3A_109 = %scan3A_32) -> (i32)  : i32 {
        %mul3A_110 = arith.constant 16 : i32
        %mul3A_111 = arith.muli %scan3A_108, %mul3A_110 : i32
        %get3A_112 = arith.index_cast %mul3A_111 : i32 to index
        %get3A_113 = tpu.vector_load %arg11[%get3A_112] {strides = array<i32>} : memref<4096xf32, #tpu.memory_space<vmem>>, vector<16xf32>,
        %mul3A_114 = arith.constant 16 : i32
        %mul3A_115 = arith.muli %scan3A_108, %mul3A_114 : i32
        %get3A_116 = arith.index_cast %mul3A_115 : i32 to index
        %get3A_117 = tpu.vector_load %arg12[%get3A_116] {strides = array<i32>} : memref<4096xf32, #tpu.memory_space<vmem>>, vector<16xf32>,
        %sub3A = arith.subf %broadcast_in_dim3A_28, %get3A_113 : vector<16xf32>
        %sub3A_118 = arith.subf %broadcast_in_dim3A_29, %get3A_117 : vector<16xf32>
        %mul3A_119 = arith.mulf %sub3A, %sub3A : vector<16xf32>
        %mul3A_120 = arith.mulf %sub3A_118, %sub3A_118 : vector<16xf32>
        %add3A_121 = arith.addf %mul3A_119, %mul3A_120 : vector<16xf32>
        %le3A = arith.cmpf ole, %add3A_121, %get3A_1 : vector<16xf32>
        %mul3A_122 = arith.constant 16 : i32
        %mul3A_123 = arith.muli %scan3A_108, %mul3A_122 : i32
        %broadcast_in_dim3A_124 = vector.broadcast %mul3A_123 : i32 to vector<16xi32>
        %add3A_125 = arith.addi %broadcast_in_dim3A_124, %iota3A : vector<16xi32>
        %min3A_126 = arith.constant 96 : i32
        %min3A_127 = arith.minsi %scan3A_109, %min3A_126 : i32
        %add3A_128 = arith.addi %mul3A_31, %min3A_127 : i32
        %swap3A_129 = arith.index_cast %add3A_128 : i32 to index
        %swap3A_130 = tpu.vector_load %arg16[%swap3A_129] masked %le3A {strides = array<i32>} : memref<14336xi32, #tpu.memory_space<vmem>>, vector<16xi32>, vector<16xi1>
        tpu.vector_store %arg16[%swap3A_129], %add3A_125 masked %le3A {strides = array<i32>} : memref<14336xi32, #tpu.memory_space<vmem>>, vector<16xi32>, vector<16xi1>
        %swap3A_131 = arith.index_cast %add3A_128 : i32 to index
        %swap3A_132 = tpu.vector_load %arg17[%swap3A_131] masked %le3A {strides = array<i32>} : memref<14336xf32, #tpu.memory_space<vmem>>, vector<16xf32>, vector<16xi1>
        tpu.vector_store %arg17[%swap3A_131], %sub3A masked %le3A {strides = array<i32>} : memref<14336xf32, #tpu.memory_space<vmem>>, vector<16xf32>, vector<16xi1>
        %swap3A_133 = arith.index_cast %add3A_128 : i32 to index
        %swap3A_134 = tpu.vector_load %arg18[%swap3A_133] masked %le3A {strides = array<i32>} : memref<14336xf32, #tpu.memory_space<vmem>>, vector<16xf32>, vector<16xi1>
        tpu.vector_store %arg18[%swap3A_133], %sub3A_118 masked %le3A {strides = array<i32>} : memref<14336xf32, #tpu.memory_space<vmem>>, vector<16xf32>, vector<16xi1>
        %all_reduce_population_count3A = tpu.all_reduce %le3A {dim = 0 : i64, kind = #tpu.reduction_kind<sum>} : vector<16xi1> -> vector<16xi32>
        %slice3A_135 = vector.extract_strided_slice %all_reduce_population_count3A {offsets = [0], sizes = [1], strides = [1]} : vector<16xi32> to vector<1xi32>
        %squeeze3A_136 = vector.extract %slice3A_135[0] : i32 from vector<1xi32>
        %add3A_137 = arith.addi %scan3A_109, %squeeze3A_136 : i32
        scf.yield %add3A_137 : i32
      }
      %scan3A_38 = arith.constant 256 : i32
      %min3A = arith.constant 96 : i32
      %min3A_39 = arith.minsi %scan3A_37, %min3A : i32
      %broadcast_in_dim3A_40 = vector.broadcast %min3A_39 : i32 to vector<16xi32>
      %broadcast_in_dim3A_41 = arith.constant 0 : i32
      %broadcast_in_dim3A_42 = vector.broadcast %broadcast_in_dim3A_41 : i32 to vector<16xi32>
      %add3A_43 = arith.addi %broadcast_in_dim3A_42, %iota3A : vector<16xi32>
      %lt3A = arith.cmpi slt, %add3A_43, %broadcast_in_dim3A_40 : vector<16xi32>
      %convert_element_type3A = arith.extui %lt3A : vector<16xi1> to vector<16xi32>
      %convert_element_type3A_44 = arith.sitofp %convert_element_type3A : vector<16xi32> to vector<16xf32>
      %add3A_45 = arith.constant 0 : i32
      %add3A_46 = arith.addi %mul3A_31, %add3A_45 : i32
      %swap3A = arith.index_cast %add3A_46 : i32 to index
      %swap3A_47 = tpu.vector_load %arg19[%swap3A] {strides = array<i32>} : memref<14336xf32, #tpu.memory_space<vmem>>, vector<16xf32>,
      tpu.vector_store %arg19[%swap3A], %convert_element_type3A_44 {strides = array<i32>} : memref<14336xf32, #tpu.memory_space<vmem>>, vector<16xf32>,
      %broadcast_in_dim3A_48 = arith.constant 16 : i32
      %broadcast_in_dim3A_49 = vector.broadcast %broadcast_in_dim3A_48 : i32 to vector<16xi32>
      %add3A_50 = arith.addi %broadcast_in_dim3A_49, %iota3A : vector<16xi32>
      %lt3A_51 = arith.cmpi slt, %add3A_50, %broadcast_in_dim3A_40 : vector<16xi32>
      %convert_element_type3A_52 = arith.extui %lt3A_51 : vector<16xi1> to vector<16xi32>
      %convert_element_type3A_53 = arith.sitofp %convert_element_type3A_52 : vector<16xi32> to vector<16xf32>
      %add3A_54 = arith.constant 16 : i32
      %add3A_55 = arith.addi %mul3A_31, %add3A_54 : i32
      %swap3A_56 = arith.index_cast %add3A_55 : i32 to index
      %swap3A_57 = tpu.vector_load %arg19[%swap3A_56] {strides = array<i32>} : memref<14336xf32, #tpu.memory_space<vmem>>, vector<16xf32>,
      tpu.vector_store %arg19[%swap3A_56], %convert_element_type3A_53 {strides = array<i32>} : memref<14336xf32, #tpu.memory_space<vmem>>, vector<16xf32>,
      %broadcast_in_dim3A_58 = arith.constant 32 : i32
      %broadcast_in_dim3A_59 = vector.broadcast %broadcast_in_dim3A_58 : i32 to vector<16xi32>
      %add3A_60 = arith.addi %broadcast_in_dim3A_59, %iota3A : vector<16xi32>
      %lt3A_61 = arith.cmpi slt, %add3A_60, %broadcast_in_dim3A_40 : vector<16xi32>
      %convert_element_type3A_62 = arith.extui %lt3A_61 : vector<16xi1> to vector<16xi32>
      %convert_element_type3A_63 = arith.sitofp %convert_element_type3A_62 : vector<16xi32> to vector<16xf32>
      %add3A_64 = arith.constant 32 : i32
      %add3A_65 = arith.addi %mul3A_31, %add3A_64 : i32
      %swap3A_66 = arith.index_cast %add3A_65 : i32 to index
      %swap3A_67 = tpu.vector_load %arg19[%swap3A_66] {strides = array<i32>} : memref<14336xf32, #tpu.memory_space<vmem>>, vector<16xf32>,
      tpu.vector_store %arg19[%swap3A_66], %convert_element_type3A_63 {strides = array<i32>} : memref<14336xf32, #tpu.memory_space<vmem>>, vector<16xf32>,
      %broadcast_in_dim3A_68 = arith.constant 48 : i32
      %broadcast_in_dim3A_69 = vector.broadcast %broadcast_in_dim3A_68 : i32 to vector<16xi32>
      %add3A_70 = arith.addi %broadcast_in_dim3A_69, %iota3A : vector<16xi32>
      %lt3A_71 = arith.cmpi slt, %add3A_70, %broadcast_in_dim3A_40 : vector<16xi32>
      %convert_element_type3A_72 = arith.extui %lt3A_71 : vector<16xi1> to vector<16xi32>
      %convert_element_type3A_73 = arith.sitofp %convert_element_type3A_72 : vector<16xi32> to vector<16xf32>
      %add3A_74 = arith.constant 48 : i32
      %add3A_75 = arith.addi %mul3A_31, %add3A_74 : i32
      %swap3A_76 = arith.index_cast %add3A_75 : i32 to index
      %swap3A_77 = tpu.vector_load %arg19[%swap3A_76] {strides = array<i32>} : memref<14336xf32, #tpu.memory_space<vmem>>, vector<16xf32>,
      tpu.vector_store %arg19[%swap3A_76], %convert_element_type3A_73 {strides = array<i32>} : memref<14336xf32, #tpu.memory_space<vmem>>, vector<16xf32>,
      %broadcast_in_dim3A_78 = arith.constant 64 : i32
      %broadcast_in_dim3A_79 = vector.broadcast %broadcast_in_dim3A_78 : i32 to vector<16xi32>
      %add3A_80 = arith.addi %broadcast_in_dim3A_79, %iota3A : vector<16xi32>
      %lt3A_81 = arith.cmpi slt, %add3A_80, %broadcast_in_dim3A_40 : vector<16xi32>
      %convert_element_type3A_82 = arith.extui %lt3A_81 : vector<16xi1> to vector<16xi32>
      %convert_element_type3A_83 = arith.sitofp %convert_element_type3A_82 : vector<16xi32> to vector<16xf32>
      %add3A_84 = arith.constant 64 : i32
      %add3A_85 = arith.addi %mul3A_31, %add3A_84 : i32
      %swap3A_86 = arith.index_cast %add3A_85 : i32 to index
      %swap3A_87 = tpu.vector_load %arg19[%swap3A_86] {strides = array<i32>} : memref<14336xf32, #tpu.memory_space<vmem>>, vector<16xf32>,
      tpu.vector_store %arg19[%swap3A_86], %convert_element_type3A_83 {strides = array<i32>} : memref<14336xf32, #tpu.memory_space<vmem>>, vector<16xf32>,
      %broadcast_in_dim3A_88 = arith.constant 80 : i32
      %broadcast_in_dim3A_89 = vector.broadcast %broadcast_in_dim3A_88 : i32 to vector<16xi32>
      %add3A_90 = arith.addi %broadcast_in_dim3A_89, %iota3A : vector<16xi32>
      %lt3A_91 = arith.cmpi slt, %add3A_90, %broadcast_in_dim3A_40 : vector<16xi32>
      %convert_element_type3A_92 = arith.extui %lt3A_91 : vector<16xi1> to vector<16xi32>
      %convert_element_type3A_93 = arith.sitofp %convert_element_type3A_92 : vector<16xi32> to vector<16xf32>
      %add3A_94 = arith.constant 80 : i32
      %add3A_95 = arith.addi %mul3A_31, %add3A_94 : i32
      %swap3A_96 = arith.index_cast %add3A_95 : i32 to index
      %swap3A_97 = tpu.vector_load %arg19[%swap3A_96] {strides = array<i32>} : memref<14336xf32, #tpu.memory_space<vmem>>, vector<16xf32>,
      tpu.vector_store %arg19[%swap3A_96], %convert_element_type3A_93 {strides = array<i32>} : memref<14336xf32, #tpu.memory_space<vmem>>, vector<16xf32>,
      %broadcast_in_dim3A_98 = arith.constant 96 : i32
      %broadcast_in_dim3A_99 = vector.broadcast %broadcast_in_dim3A_98 : i32 to vector<16xi32>
      %add3A_100 = arith.addi %broadcast_in_dim3A_99, %iota3A : vector<16xi32>
      %lt3A_101 = arith.cmpi slt, %add3A_100, %broadcast_in_dim3A_40 : vector<16xi32>
      %convert_element_type3A_102 = arith.extui %lt3A_101 : vector<16xi1> to vector<16xi32>
      %convert_element_type3A_103 = arith.sitofp %convert_element_type3A_102 : vector<16xi32> to vector<16xf32>
      %add3A_104 = arith.constant 96 : i32
      %add3A_105 = arith.addi %mul3A_31, %add3A_104 : i32
      %swap3A_106 = arith.index_cast %add3A_105 : i32 to index
      %swap3A_107 = tpu.vector_load %arg19[%swap3A_106] {strides = array<i32>} : memref<14336xf32, #tpu.memory_space<vmem>>, vector<16xf32>,
      tpu.vector_store %arg19[%swap3A_106], %convert_element_type3A_103 {strides = array<i32>} : memref<14336xf32, #tpu.memory_space<vmem>>, vector<16xf32>,
    }
    %scan3A_15 = arith.constant 128 : i32
    %mul3A_16 = arith.constant 14336 : i32
    %mul3A_17 = arith.muli %add3A, %mul3A_16 : i32
    "tpu.region"() ({
      %run_scoped3A = tpu.sem_alloc : memref<!tpu.dma_semaphore, #tpu.memory_space<semaphore_mem>>
      %dma_start3A = tpu.memref_slice %arg7[%mul3A_17] : memref<458752xi32, #tpu.memory_space<hbm>> -> memref<14336xi32, #tpu.memory_space<hbm>>
      %dma_start3A_18 = tpu.memref_slice %arg7[%mul3A_17] : memref<458752xi32, #tpu.memory_space<hbm>> -> memref<14336xi32, #tpu.memory_space<hbm>>
      tpu.enqueue_dma source(%arg16 : memref<14336xi32, #tpu.memory_space<vmem>>) target(%dma_start3A_18 : memref<14336xi32, #tpu.memory_space<hbm>>) target_semaphore(%run_scoped3A : memref<!tpu.dma_semaphore, #tpu.memory_space<semaphore_mem>>)
      %dma_wait3A = tpu.memref_slice %arg7[%mul3A_17] : memref<458752xi32, #tpu.memory_space<hbm>> -> memref<14336xi32, #tpu.memory_space<hbm>>
      %dma_wait3A_19 = tpu.memref_slice %arg7[%mul3A_17] : memref<458752xi32, #tpu.memory_space<hbm>> -> memref<14336xi32, #tpu.memory_space<hbm>>
      tpu.wait_dma2 semaphore(%run_scoped3A : memref<!tpu.dma_semaphore, #tpu.memory_space<semaphore_mem>>) src(%arg16 : memref<14336xi32, #tpu.memory_space<vmem>>) dst(%dma_wait3A_19 : memref<14336xi32, #tpu.memory_space<hbm>>)
      tpu.yield
    }) : () -> ()
    "tpu.region"() ({
      %run_scoped3A = tpu.sem_alloc : memref<!tpu.dma_semaphore, #tpu.memory_space<semaphore_mem>>
      %dma_start3A = tpu.memref_slice %arg8[%mul3A_17] : memref<458752xf32, #tpu.memory_space<hbm>> -> memref<14336xf32, #tpu.memory_space<hbm>>
      %dma_start3A_18 = tpu.memref_slice %arg8[%mul3A_17] : memref<458752xf32, #tpu.memory_space<hbm>> -> memref<14336xf32, #tpu.memory_space<hbm>>
      tpu.enqueue_dma source(%arg17 : memref<14336xf32, #tpu.memory_space<vmem>>) target(%dma_start3A_18 : memref<14336xf32, #tpu.memory_space<hbm>>) target_semaphore(%run_scoped3A : memref<!tpu.dma_semaphore, #tpu.memory_space<semaphore_mem>>)
      %dma_wait3A = tpu.memref_slice %arg8[%mul3A_17] : memref<458752xf32, #tpu.memory_space<hbm>> -> memref<14336xf32, #tpu.memory_space<hbm>>
      %dma_wait3A_19 = tpu.memref_slice %arg8[%mul3A_17] : memref<458752xf32, #tpu.memory_space<hbm>> -> memref<14336xf32, #tpu.memory_space<hbm>>
      tpu.wait_dma2 semaphore(%run_scoped3A : memref<!tpu.dma_semaphore, #tpu.memory_space<semaphore_mem>>) src(%arg17 : memref<14336xf32, #tpu.memory_space<vmem>>) dst(%dma_wait3A_19 : memref<14336xf32, #tpu.memory_space<hbm>>)
      tpu.yield
    }) : () -> ()
    "tpu.region"() ({
      %run_scoped3A = tpu.sem_alloc : memref<!tpu.dma_semaphore, #tpu.memory_space<semaphore_mem>>
      %dma_start3A = tpu.memref_slice %arg9[%mul3A_17] : memref<458752xf32, #tpu.memory_space<hbm>> -> memref<14336xf32, #tpu.memory_space<hbm>>
      %dma_start3A_18 = tpu.memref_slice %arg9[%mul3A_17] : memref<458752xf32, #tpu.memory_space<hbm>> -> memref<14336xf32, #tpu.memory_space<hbm>>
      tpu.enqueue_dma source(%arg18 : memref<14336xf32, #tpu.memory_space<vmem>>) target(%dma_start3A_18 : memref<14336xf32, #tpu.memory_space<hbm>>) target_semaphore(%run_scoped3A : memref<!tpu.dma_semaphore, #tpu.memory_space<semaphore_mem>>)
      %dma_wait3A = tpu.memref_slice %arg9[%mul3A_17] : memref<458752xf32, #tpu.memory_space<hbm>> -> memref<14336xf32, #tpu.memory_space<hbm>>
      %dma_wait3A_19 = tpu.memref_slice %arg9[%mul3A_17] : memref<458752xf32, #tpu.memory_space<hbm>> -> memref<14336xf32, #tpu.memory_space<hbm>>
      tpu.wait_dma2 semaphore(%run_scoped3A : memref<!tpu.dma_semaphore, #tpu.memory_space<semaphore_mem>>) src(%arg18 : memref<14336xf32, #tpu.memory_space<vmem>>) dst(%dma_wait3A_19 : memref<14336xf32, #tpu.memory_space<hbm>>)
      tpu.yield
    }) : () -> ()
    "tpu.region"() ({
      %run_scoped3A = tpu.sem_alloc : memref<!tpu.dma_semaphore, #tpu.memory_space<semaphore_mem>>
      %dma_start3A = tpu.memref_slice %arg10[%mul3A_17] : memref<458752xf32, #tpu.memory_space<hbm>> -> memref<14336xf32, #tpu.memory_space<hbm>>
      %dma_start3A_18 = tpu.memref_slice %arg10[%mul3A_17] : memref<458752xf32, #tpu.memory_space<hbm>> -> memref<14336xf32, #tpu.memory_space<hbm>>
      tpu.enqueue_dma source(%arg19 : memref<14336xf32, #tpu.memory_space<vmem>>) target(%dma_start3A_18 : memref<14336xf32, #tpu.memory_space<hbm>>) target_semaphore(%run_scoped3A : memref<!tpu.dma_semaphore, #tpu.memory_space<semaphore_mem>>)
      %dma_wait3A = tpu.memref_slice %arg10[%mul3A_17] : memref<458752xf32, #tpu.memory_space<hbm>> -> memref<14336xf32, #tpu.memory_space<hbm>>
      %dma_wait3A_19 = tpu.memref_slice %arg10[%mul3A_17] : memref<458752xf32, #tpu.memory_space<hbm>> -> memref<14336xf32, #tpu.memory_space<hbm>>
      tpu.wait_dma2 semaphore(%run_scoped3A : memref<!tpu.dma_semaphore, #tpu.memory_space<semaphore_mem>>) src(%arg19 : memref<14336xf32, #tpu.memory_space<vmem>>) dst(%dma_wait3A_19 : memref<14336xf32, #tpu.memory_space<hbm>>)
      tpu.yield
    }) : () -> ()
    return
  }
}

#map = affine_map<(d0, d1) -> (0, 0)>
#map1 = affine_map<(d0, d1) -> (0)>
module attributes {stable_mosaic.version = 14 : i64} {
  func.func @gk(%arg0: i32, %arg1: i32, %arg2: memref<4096x128xf32, #tpu.memory_space<hbm>>, %arg3: memref<458752xi32, #tpu.memory_space<hbm>>, %arg4: memref<458752x128xf32, #tpu.memory_space<hbm>>, %arg5: memref<14336xi32, #tpu.memory_space<vmem>>, %arg6: memref<512x128xf32, #tpu.memory_space<vmem>>, %arg7: memref<4096x128xf32, #tpu.memory_space<vmem_shared>>, %arg8: memref<!tpu.dma_semaphore, #tpu.memory_space<semaphore_mem>>) attributes {dimension_semantics = [#tpu.dimension_semantics<core_parallel>, #tpu.dimension_semantics<subcore_parallel>], iteration_bounds = array<i64: 2, 16>, scalar_prefetch = 0 : i64, scratch_operands = 4 : i64, tpu.core_type = #tpu.core_type<sc_vector_subcore>, window_params = [{transform_indices = #map}, {transform_indices = #map1}, {transform_indices = #map}]} {
    %mul3A = arith.constant 2 : i32
    %mul3A_0 = arith.muli %arg1, %mul3A : i32
    %add3A = arith.addi %mul3A_0, %arg0 : i32
    %mul3A_1 = arith.constant 14336 : i32
    %mul3A_2 = arith.muli %add3A, %mul3A_1 : i32
    %mul3A_3 = arith.constant 256 : i32
    %mul3A_4 = arith.muli %arg1, %mul3A_3 : i32
    %mul3A_5 = arith.constant 256 : i32
    %mul3A_6 = arith.muli %arg1, %mul3A_5 : i32
    "tpu.region"() ({
      %run_scoped3A = tpu.sem_alloc : memref<!tpu.dma_semaphore, #tpu.memory_space<semaphore_mem>>
      %dma_start3A = arith.constant 0 : i32
      %dma_start3A_12 = tpu.memref_slice %arg7[%mul3A_6, %dma_start3A] : memref<4096x128xf32, #tpu.memory_space<vmem_shared>> -> memref<256x128xf32, #tpu.memory_space<vmem_shared>>
      %dma_start3A_13 = arith.constant 0 : i32
      %dma_start3A_14 = tpu.memref_slice %arg2[%mul3A_4, %dma_start3A_13] : memref<4096x128xf32, #tpu.memory_space<hbm>> -> memref<256x128xf32, #tpu.memory_space<hbm>>
      tpu.enqueue_dma source(%dma_start3A_14 : memref<256x128xf32, #tpu.memory_space<hbm>>) target(%dma_start3A_12 : memref<256x128xf32, #tpu.memory_space<vmem_shared>>) target_semaphore(%run_scoped3A : memref<!tpu.dma_semaphore, #tpu.memory_space<semaphore_mem>>)
      %dma_wait3A = arith.constant 0 : i32
      %dma_wait3A_15 = tpu.memref_slice %arg7[%mul3A_6, %dma_wait3A] : memref<4096x128xf32, #tpu.memory_space<vmem_shared>> -> memref<256x128xf32, #tpu.memory_space<vmem_shared>>
      %dma_wait3A_16 = arith.constant 0 : i32
      %dma_wait3A_17 = tpu.memref_slice %arg2[%mul3A_4, %dma_wait3A_16] : memref<4096x128xf32, #tpu.memory_space<hbm>> -> memref<256x128xf32, #tpu.memory_space<hbm>>
      tpu.wait_dma2 semaphore(%run_scoped3A : memref<!tpu.dma_semaphore, #tpu.memory_space<semaphore_mem>>) src(%dma_wait3A_17 : memref<256x128xf32, #tpu.memory_space<hbm>>) dst(%dma_wait3A_15 : memref<256x128xf32, #tpu.memory_space<vmem_shared>>)
      tpu.yield
    }) : () -> ()
    "tpu.region"() ({
      %run_scoped3A = tpu.sem_alloc : memref<!tpu.dma_semaphore, #tpu.memory_space<semaphore_mem>>
      %dma_start3A = tpu.memref_slice %arg3[%mul3A_2] : memref<458752xi32, #tpu.memory_space<hbm>> -> memref<14336xi32, #tpu.memory_space<hbm>>
      %dma_start3A_12 = tpu.memref_slice %arg3[%mul3A_2] : memref<458752xi32, #tpu.memory_space<hbm>> -> memref<14336xi32, #tpu.memory_space<hbm>>
      tpu.enqueue_dma source(%dma_start3A_12 : memref<14336xi32, #tpu.memory_space<hbm>>) target(%arg5 : memref<14336xi32, #tpu.memory_space<vmem>>) target_semaphore(%run_scoped3A : memref<!tpu.dma_semaphore, #tpu.memory_space<semaphore_mem>>)
      %dma_wait3A = tpu.memref_slice %arg3[%mul3A_2] : memref<458752xi32, #tpu.memory_space<hbm>> -> memref<14336xi32, #tpu.memory_space<hbm>>
      %dma_wait3A_13 = tpu.memref_slice %arg3[%mul3A_2] : memref<458752xi32, #tpu.memory_space<hbm>> -> memref<14336xi32, #tpu.memory_space<hbm>>
      tpu.wait_dma2 semaphore(%run_scoped3A : memref<!tpu.dma_semaphore, #tpu.memory_space<semaphore_mem>>) src(%dma_wait3A_13 : memref<14336xi32, #tpu.memory_space<hbm>>) dst(%arg5 : memref<14336xi32, #tpu.memory_space<vmem>>)
      tpu.yield
    }) : () -> ()
    %barrier3A = arith.constant 0 : index
    tpu.barrier barrier_id(%barrier3A)
    %scan3A = arith.constant 0 : i32
    %scan3A_7 = arith.constant 0 : i32
    %scan3A_8 = arith.constant 28 : i32
    %scan3A_9 = arith.addi %scan3A_7, %scan3A_8 : i32
    %scan3A_10 = arith.constant 1 : i32
    scf.for %scan3A_12 = %scan3A_7 to %scan3A_9 step %scan3A_10  : i32 {
      %mul3A_13 = arith.constant 512 : i32
      %mul3A_14 = arith.muli %scan3A_12, %mul3A_13 : i32
      %dma_start3A = tpu.memref_slice %arg5[%mul3A_14] : memref<14336xi32, #tpu.memory_space<vmem>> -> memref<512xi32, #tpu.memory_space<vmem>>
      %dma_start3A_15 = arith.constant 0 : i32
      %dma_start3A_16 = arith.constant 0 : i32
      %dma_start3A_17 = tpu.memref_slice %arg7[%dma_start3A_15, %dma_start3A_16] : memref<4096x128xf32, #tpu.memory_space<vmem_shared>> -> memref<4096x128xf32, #tpu.memory_space<vmem_shared>>
      tpu.enqueue_indirect_dma source(%dma_start3A_17 : memref<4096x128xf32, #tpu.memory_space<vmem_shared>>) target(%arg6 : memref<512x128xf32, #tpu.memory_space<vmem>>) offsets(%dma_start3A : memref<512xi32, #tpu.memory_space<vmem>>) semaphore(%arg8 : memref<!tpu.dma_semaphore, #tpu.memory_space<semaphore_mem>>)
      %dma_wait3A = tpu.memref_slice %arg5[%mul3A_14] : memref<14336xi32, #tpu.memory_space<vmem>> -> memref<512xi32, #tpu.memory_space<vmem>>
      %dma_wait3A_18 = arith.constant 0 : i32
      %dma_wait3A_19 = arith.constant 0 : i32
      %dma_wait3A_20 = tpu.memref_slice %arg7[%dma_wait3A_18, %dma_wait3A_19] : memref<4096x128xf32, #tpu.memory_space<vmem_shared>> -> memref<4096x128xf32, #tpu.memory_space<vmem_shared>>
      tpu.wait_indirect_dma semaphore(%arg8 : memref<!tpu.dma_semaphore, #tpu.memory_space<semaphore_mem>>) src(%dma_wait3A_20 : memref<4096x128xf32, #tpu.memory_space<vmem_shared>>) dst(%arg6 : memref<512x128xf32, #tpu.memory_space<vmem>>)
      %add3A_21 = arith.addi %mul3A_2, %mul3A_14 : i32
      "tpu.region"() ({
        %run_scoped3A = tpu.sem_alloc : memref<!tpu.dma_semaphore, #tpu.memory_space<semaphore_mem>>
        %dma_start3A_22 = arith.constant 0 : i32
        %dma_start3A_23 = tpu.memref_slice %arg4[%add3A_21, %dma_start3A_22] : memref<458752x128xf32, #tpu.memory_space<hbm>> -> memref<512x128xf32, #tpu.memory_space<hbm>>
        %dma_start3A_24 = arith.constant 0 : i32
        %dma_start3A_25 = tpu.memref_slice %arg4[%add3A_21, %dma_start3A_24] : memref<458752x128xf32, #tpu.memory_space<hbm>> -> memref<512x128xf32, #tpu.memory_space<hbm>>
        tpu.enqueue_dma source(%arg6 : memref<512x128xf32, #tpu.memory_space<vmem>>) target(%dma_start3A_25 : memref<512x128xf32, #tpu.memory_space<hbm>>) target_semaphore(%run_scoped3A : memref<!tpu.dma_semaphore, #tpu.memory_space<semaphore_mem>>)
        %dma_wait3A_26 = arith.constant 0 : i32
        %dma_wait3A_27 = tpu.memref_slice %arg4[%add3A_21, %dma_wait3A_26] : memref<458752x128xf32, #tpu.memory_space<hbm>> -> memref<512x128xf32, #tpu.memory_space<hbm>>
        %dma_wait3A_28 = arith.constant 0 : i32
        %dma_wait3A_29 = tpu.memref_slice %arg4[%add3A_21, %dma_wait3A_28] : memref<458752x128xf32, #tpu.memory_space<hbm>> -> memref<512x128xf32, #tpu.memory_space<hbm>>
        tpu.wait_dma2 semaphore(%run_scoped3A : memref<!tpu.dma_semaphore, #tpu.memory_space<semaphore_mem>>) src(%arg6 : memref<512x128xf32, #tpu.memory_space<vmem>>) dst(%dma_wait3A_29 : memref<512x128xf32, #tpu.memory_space<hbm>>)
        tpu.yield
      }) : () -> ()
    }
    %scan3A_11 = arith.constant 28 : i32
    return
  }
}

module attributes {stable_mosaic.version = 14 : i64} {
  func.func @_main_body(%arg0: i32, %arg1: memref<896x1xf32, #tpu.memory_space<vmem>>, %arg2: memref<896x1xf32, #tpu.memory_space<vmem>>, %arg3: memref<896x1xf32, #tpu.memory_space<vmem>>, %arg4: memref<896x128xf32, #tpu.memory_space<vmem>>, %arg5: memref<8x128xf32, #tpu.memory_space<vmem>>, %arg6: memref<1x128xf32, #tpu.memory_space<vmem>>, %arg7: memref<1x128xf32, #tpu.memory_space<vmem>>, %arg8: memref<1x128xf32, #tpu.memory_space<vmem>>, %arg9: memref<128x128xf32, #tpu.memory_space<vmem>>, %arg10: memref<1x128xf32, #tpu.memory_space<vmem>>, %arg11: memref<1x128xf32, #tpu.memory_space<vmem>>, %arg12: memref<128x128xf32, #tpu.memory_space<vmem>>, %arg13: memref<1x128xf32, #tpu.memory_space<vmem>>, %arg14: memref<1x128xf32, #tpu.memory_space<vmem>>, %arg15: memref<8x128xf32, #tpu.memory_space<vmem>>) attributes {dimension_semantics = [#tpu.dimension_semantics<arbitrary>], iteration_bounds = array<i64: 512>, scalar_prefetch = 0 : i64, scratch_operands = 0 : i64, tpu.core_type = #tpu.core_type<tc>, window_params = [{transform_indices = @transform_0, window_bounds = array<i64: 896, 1>}, {transform_indices = @transform_1, window_bounds = array<i64: 896, 1>}, {transform_indices = @transform_2, window_bounds = array<i64: 896, 1>}, {transform_indices = @transform_3, window_bounds = array<i64: 896, 128>}, {transform_indices = @transform_4, window_bounds = array<i64: 8, 128>}, {pipeline_mode = #tpu.pipeline_mode<synchronous>, transform_indices = @transform_5, window_bounds = array<i64: 1, 128>}, {pipeline_mode = #tpu.pipeline_mode<synchronous>, transform_indices = @transform_6, window_bounds = array<i64: 1, 128>}, {pipeline_mode = #tpu.pipeline_mode<synchronous>, transform_indices = @transform_7, window_bounds = array<i64: 1, 128>}, {pipeline_mode = #tpu.pipeline_mode<synchronous>, transform_indices = @transform_8, window_bounds = array<i64: 128, 128>}, {pipeline_mode = #tpu.pipeline_mode<synchronous>, transform_indices = @transform_9, window_bounds = array<i64: 1, 128>}, {pipeline_mode = #tpu.pipeline_mode<synchronous>, transform_indices = @transform_10, window_bounds = array<i64: 1, 128>}, {pipeline_mode = #tpu.pipeline_mode<synchronous>, transform_indices = @transform_11, window_bounds = array<i64: 128, 128>}, {pipeline_mode = #tpu.pipeline_mode<synchronous>, transform_indices = @transform_12, window_bounds = array<i64: 1, 128>}, {pipeline_mode = #tpu.pipeline_mode<synchronous>, transform_indices = @transform_13, window_bounds = array<i64: 1, 128>}, {transform_indices = @transform_14, window_bounds = array<i64: 8, 128>}]} {
    %get3A = arith.constant 0 : index
    %get3A_0 = arith.constant 0 : index
    %get3A_1 = vector.load %arg1[%get3A, %get3A_0] : memref<896x1xf32, #tpu.memory_space<vmem>>, vector<896x1xf32>
    %get3A_2 = arith.constant 0 : index
    %get3A_3 = arith.constant 0 : index
    %get3A_4 = vector.load %arg2[%get3A_2, %get3A_3] : memref<896x1xf32, #tpu.memory_space<vmem>>, vector<896x1xf32>
    %get3A_5 = arith.constant 0 : index
    %get3A_6 = arith.constant 0 : index
    %get3A_7 = vector.load %arg6[%get3A_5, %get3A_6] : memref<1x128xf32, #tpu.memory_space<vmem>>, vector<1x128xf32>
    %mul3A = vector.broadcast %get3A_1 : vector<896x1xf32> to vector<896x128xf32>
    %mul3A_8 = vector.broadcast %get3A_7 : vector<1x128xf32> to vector<896x128xf32>
    %mul3A_9 = arith.mulf %mul3A, %mul3A_8 : vector<896x128xf32>
    %get3A_10 = arith.constant 0 : index
    %get3A_11 = arith.constant 0 : index
    %get3A_12 = vector.load %arg7[%get3A_10, %get3A_11] : memref<1x128xf32, #tpu.memory_space<vmem>>, vector<1x128xf32>
    %mul3A_13 = vector.broadcast %get3A_4 : vector<896x1xf32> to vector<896x128xf32>
    %mul3A_14 = vector.broadcast %get3A_12 : vector<1x128xf32> to vector<896x128xf32>
    %mul3A_15 = arith.mulf %mul3A_13, %mul3A_14 : vector<896x128xf32>
    %add3A = arith.addf %mul3A_9, %mul3A_15 : vector<896x128xf32>
    %get3A_16 = arith.constant 0 : index
    %get3A_17 = arith.constant 0 : index
    %get3A_18 = vector.load %arg8[%get3A_16, %get3A_17] : memref<1x128xf32, #tpu.memory_space<vmem>>, vector<1x128xf32>
    %add3A_19 = vector.broadcast %get3A_18 : vector<1x128xf32> to vector<896x128xf32>
    %add3A_20 = arith.addf %add3A, %add3A_19 : vector<896x128xf32>
    %max3A = arith.constant 0.000000e+00 : f32
    %max3A_21 = vector.broadcast %max3A : f32 to vector<896x128xf32>
    %max3A_22 = arith.maximumf %add3A_20, %max3A_21 : vector<896x128xf32>
    %get3A_23 = arith.constant 0 : index
    %get3A_24 = arith.constant 0 : index
    %get3A_25 = vector.load %arg9[%get3A_23, %get3A_24] : memref<128x128xf32, #tpu.memory_space<vmem>>, vector<128x128xf32>
    %dot_general3A = arith.constant dense<0.000000e+00> : vector<896x128xf32>
    %dot_general3A_26 = tpu.matmul %max3A_22, %get3A_25, %dot_general3A {dimension_numbers = #tpu.dot_dimension_numbers<[1], [0], [0], [1], [0, 0, 1, 1], [], []>, transpose_lhs_hint = false} : vector<896x128xf32>, vector<128x128xf32>, vector<896x128xf32> -> vector<896x128xf32>
    %get3A_27 = arith.constant 0 : index
    %get3A_28 = arith.constant 0 : index
    %get3A_29 = vector.load %arg10[%get3A_27, %get3A_28] : memref<1x128xf32, #tpu.memory_space<vmem>>, vector<1x128xf32>
    %get3A_30 = arith.constant 0 : index
    %get3A_31 = arith.constant 0 : index
    %get3A_32 = vector.load %arg11[%get3A_30, %get3A_31] : memref<1x128xf32, #tpu.memory_space<vmem>>, vector<1x128xf32>
    %reduce_sum3A = arith.constant dense<0.000000e+00> : vector<896xf32>
    %reduce_sum3A_33 = vector.multi_reduction <add>, %dot_general3A_26, %reduce_sum3A [1] : vector<896x128xf32> to vector<896xf32>
    %broadcast_in_dim3A = vector.shape_cast %reduce_sum3A_33 : vector<896xf32> to vector<896x1xf32>
    %div3A = arith.constant 1.280000e+02 : f32
    %div3A_34 = vector.broadcast %div3A : f32 to vector<896x1xf32>
    %div3A_35 = arith.divf %broadcast_in_dim3A, %div3A_34 : vector<896x1xf32>
    %sub3A = vector.broadcast %div3A_35 : vector<896x1xf32> to vector<896x128xf32>
    %sub3A_36 = arith.subf %dot_general3A_26, %sub3A : vector<896x128xf32>
    %integer_pow3A = arith.mulf %sub3A_36, %sub3A_36 : vector<896x128xf32>
    %reduce_sum3A_37 = arith.constant dense<0.000000e+00> : vector<896xf32>
    %reduce_sum3A_38 = vector.multi_reduction <add>, %integer_pow3A, %reduce_sum3A_37 [1] : vector<896x128xf32> to vector<896xf32>
    %broadcast_in_dim3A_39 = vector.shape_cast %reduce_sum3A_38 : vector<896xf32> to vector<896x1xf32>
    %div3A_40 = arith.constant 1.280000e+02 : f32
    %div3A_41 = vector.broadcast %div3A_40 : f32 to vector<896x1xf32>
    %div3A_42 = arith.divf %broadcast_in_dim3A_39, %div3A_41 : vector<896x1xf32>
    %sub3A_43 = vector.broadcast %div3A_35 : vector<896x1xf32> to vector<896x128xf32>
    %sub3A_44 = arith.subf %dot_general3A_26, %sub3A_43 : vector<896x128xf32>
    %add3A_45 = arith.constant 9.99999974E-6 : f32
    %add3A_46 = vector.broadcast %add3A_45 : f32 to vector<896x1xf32>
    %add3A_47 = arith.addf %div3A_42, %add3A_46 : vector<896x1xf32>
    %sqrt3A = math.sqrt %add3A_47 : vector<896x1xf32>
    %div3A_48 = vector.broadcast %sqrt3A : vector<896x1xf32> to vector<896x128xf32>
    %div3A_49 = arith.divf %sub3A_44, %div3A_48 : vector<896x128xf32>
    %mul3A_50 = vector.broadcast %get3A_29 : vector<1x128xf32> to vector<896x128xf32>
    %mul3A_51 = arith.mulf %div3A_49, %mul3A_50 : vector<896x128xf32>
    %add3A_52 = vector.broadcast %get3A_32 : vector<1x128xf32> to vector<896x128xf32>
    %add3A_53 = arith.addf %mul3A_51, %add3A_52 : vector<896x128xf32>
    %max3A_54 = arith.constant 0.000000e+00 : f32
    %max3A_55 = vector.broadcast %max3A_54 : f32 to vector<896x128xf32>
    %max3A_56 = arith.maximumf %add3A_53, %max3A_55 : vector<896x128xf32>
    %iota3A = tpu.iota {dimensions = array<i32: 0>} : vector<896x8xi32>
    %jit3A = arith.constant 112 : i32
    %div3A_57 = vector.broadcast %jit3A : i32 to vector<896x8xi32>
    %div3A_58 = arith.divsi %iota3A, %div3A_57 : vector<896x8xi32>
    %sign3A = arith.constant 0 : i32
    %sign3A_59 = vector.broadcast %sign3A : i32 to vector<896x8xi32>
    %sign3A_60 = arith.cmpi sgt, %iota3A, %sign3A_59 : vector<896x8xi32>
    %sign3A_61 = arith.extui %sign3A_60 : vector<896x8xi1> to vector<896x8xi32>
    %sign3A_62 = arith.constant 0 : i32
    %sign3A_63 = vector.broadcast %sign3A_62 : i32 to vector<896x8xi32>
    %sign3A_64 = arith.cmpi slt, %iota3A, %sign3A_63 : vector<896x8xi32>
    %sign3A_65 = arith.extui %sign3A_64 : vector<896x8xi1> to vector<896x8xi32>
    %sign3A_66 = arith.subi %sign3A_61, %sign3A_65 : vector<896x8xi32>
    %sign3A_67 = arith.constant 0 : i32
    %sign3A_68 = arith.cmpi sgt, %jit3A, %sign3A_67 : i32
    %sign3A_69 = arith.extui %sign3A_68 : i1 to i32
    %sign3A_70 = arith.constant 0 : i32
    %sign3A_71 = arith.cmpi slt, %jit3A, %sign3A_70 : i32
    %sign3A_72 = arith.extui %sign3A_71 : i1 to i32
    %sign3A_73 = arith.subi %sign3A_69, %sign3A_72 : i32
    %ne3A = vector.broadcast %sign3A_73 : i32 to vector<896x8xi32>
    %ne3A_74 = arith.cmpi ne, %sign3A_66, %ne3A : vector<896x8xi32>
    %rem3A = vector.broadcast %jit3A : i32 to vector<896x8xi32>
    %rem3A_75 = arith.remsi %iota3A, %rem3A : vector<896x8xi32>
    %ne3A_76 = arith.constant 0 : i32
    %ne3A_77 = vector.broadcast %ne3A_76 : i32 to vector<896x8xi32>
    %ne3A_78 = arith.cmpi ne, %rem3A_75, %ne3A_77 : vector<896x8xi32>
    %and3A = arith.andi %ne3A_74, %ne3A_78 : vector<896x8xi1>
    %sub3A_79 = arith.constant 1 : i32
    %sub3A_80 = vector.broadcast %sub3A_79 : i32 to vector<896x8xi32>
    %sub3A_81 = arith.subi %div3A_58, %sub3A_80 : vector<896x8xi32>
    %select_n3A = arith.select %and3A, %sub3A_81, %div3A_58 : vector<896x8xi1>, vector<896x8xi32>
    %iota3A_82 = tpu.iota {dimensions = array<i32: 1>} : vector<896x8xi32>
    %eq3A = arith.cmpi eq, %select_n3A, %iota3A_82 : vector<896x8xi32>
    %convert_element_type3A = arith.extui %eq3A : vector<896x8xi1> to vector<896x8xi32>
    %convert_element_type3A_83 = arith.sitofp %convert_element_type3A : vector<896x8xi32> to vector<896x8xf32>
    %get3A_84 = arith.constant 0 : index
    %get3A_85 = arith.constant 0 : index
    %get3A_86 = vector.load %arg5[%get3A_84, %get3A_85] : memref<8x128xf32, #tpu.memory_space<vmem>>, vector<8x128xf32>
    %dot_general3A_87 = arith.constant dense<0.000000e+00> : vector<896x128xf32>
    %dot_general3A_88 = tpu.matmul %convert_element_type3A_83, %get3A_86, %dot_general3A_87 {dimension_numbers = #tpu.dot_dimension_numbers<[1], [0], [0], [1], [0, 0, 1, 1], [], []>, transpose_lhs_hint = false} : vector<896x8xf32>, vector<8x128xf32>, vector<896x128xf32> -> vector<896x128xf32>
    %get3A_89 = arith.constant 0 : index
    %get3A_90 = arith.constant 0 : index
    %get3A_91 = vector.load %arg12[%get3A_89, %get3A_90] : memref<128x128xf32, #tpu.memory_space<vmem>>, vector<128x128xf32>
    %dot_general3A_92 = arith.constant dense<0.000000e+00> : vector<896x128xf32>
    %dot_general3A_93 = tpu.matmul %max3A_56, %get3A_91, %dot_general3A_92 {dimension_numbers = #tpu.dot_dimension_numbers<[1], [0], [0], [1], [0, 0, 1, 1], [], []>, transpose_lhs_hint = false} : vector<896x128xf32>, vector<128x128xf32>, vector<896x128xf32> -> vector<896x128xf32>
    %get3A_94 = arith.constant 0 : index
    %get3A_95 = arith.constant 0 : index
    %get3A_96 = vector.load %arg4[%get3A_94, %get3A_95] : memref<896x128xf32, #tpu.memory_space<vmem>>, vector<896x128xf32>
    %add3A_97 = arith.addf %dot_general3A_93, %get3A_96 : vector<896x128xf32>
    %add3A_98 = arith.addf %add3A_97, %dot_general3A_88 : vector<896x128xf32>
    %get3A_99 = arith.constant 0 : index
    %get3A_100 = arith.constant 0 : index
    %get3A_101 = vector.load %arg13[%get3A_99, %get3A_100] : memref<1x128xf32, #tpu.memory_space<vmem>>, vector<1x128xf32>
    %get3A_102 = arith.constant 0 : index
    %get3A_103 = arith.constant 0 : index
    %get3A_104 = vector.load %arg14[%get3A_102, %get3A_103] : memref<1x128xf32, #tpu.memory_space<vmem>>, vector<1x128xf32>
    %reduce_sum3A_105 = arith.constant dense<0.000000e+00> : vector<896xf32>
    %reduce_sum3A_106 = vector.multi_reduction <add>, %add3A_98, %reduce_sum3A_105 [1] : vector<896x128xf32> to vector<896xf32>
    %broadcast_in_dim3A_107 = vector.shape_cast %reduce_sum3A_106 : vector<896xf32> to vector<896x1xf32>
    %div3A_108 = arith.constant 1.280000e+02 : f32
    %div3A_109 = vector.broadcast %div3A_108 : f32 to vector<896x1xf32>
    %div3A_110 = arith.divf %broadcast_in_dim3A_107, %div3A_109 : vector<896x1xf32>
    %sub3A_111 = vector.broadcast %div3A_110 : vector<896x1xf32> to vector<896x128xf32>
    %sub3A_112 = arith.subf %add3A_98, %sub3A_111 : vector<896x128xf32>
    %integer_pow3A_113 = arith.mulf %sub3A_112, %sub3A_112 : vector<896x128xf32>
    %reduce_sum3A_114 = arith.constant dense<0.000000e+00> : vector<896xf32>
    %reduce_sum3A_115 = vector.multi_reduction <add>, %integer_pow3A_113, %reduce_sum3A_114 [1] : vector<896x128xf32> to vector<896xf32>
    %broadcast_in_dim3A_116 = vector.shape_cast %reduce_sum3A_115 : vector<896xf32> to vector<896x1xf32>
    %div3A_117 = arith.constant 1.280000e+02 : f32
    %div3A_118 = vector.broadcast %div3A_117 : f32 to vector<896x1xf32>
    %div3A_119 = arith.divf %broadcast_in_dim3A_116, %div3A_118 : vector<896x1xf32>
    %sub3A_120 = vector.broadcast %div3A_110 : vector<896x1xf32> to vector<896x128xf32>
    %sub3A_121 = arith.subf %add3A_98, %sub3A_120 : vector<896x128xf32>
    %add3A_122 = arith.constant 9.99999974E-6 : f32
    %add3A_123 = vector.broadcast %add3A_122 : f32 to vector<896x1xf32>
    %add3A_124 = arith.addf %div3A_119, %add3A_123 : vector<896x1xf32>
    %sqrt3A_125 = math.sqrt %add3A_124 : vector<896x1xf32>
    %div3A_126 = vector.broadcast %sqrt3A_125 : vector<896x1xf32> to vector<896x128xf32>
    %div3A_127 = arith.divf %sub3A_121, %div3A_126 : vector<896x128xf32>
    %mul3A_128 = vector.broadcast %get3A_101 : vector<1x128xf32> to vector<896x128xf32>
    %mul3A_129 = arith.mulf %div3A_127, %mul3A_128 : vector<896x128xf32>
    %add3A_130 = vector.broadcast %get3A_104 : vector<1x128xf32> to vector<896x128xf32>
    %add3A_131 = arith.addf %mul3A_129, %add3A_130 : vector<896x128xf32>
    %max3A_132 = arith.constant 0.000000e+00 : f32
    %max3A_133 = vector.broadcast %max3A_132 : f32 to vector<896x128xf32>
    %max3A_134 = arith.maximumf %add3A_131, %max3A_133 : vector<896x128xf32>
    %get3A_135 = arith.constant 0 : index
    %get3A_136 = arith.constant 0 : index
    %get3A_137 = vector.load %arg3[%get3A_135, %get3A_136] : memref<896x1xf32, #tpu.memory_space<vmem>>, vector<896x1xf32>
    %mul3A_138 = vector.broadcast %get3A_137 : vector<896x1xf32> to vector<896x8xf32>
    %mul3A_139 = arith.mulf %convert_element_type3A_83, %mul3A_138 : vector<896x8xf32>
    %dot_general3A_140 = arith.constant dense<0.000000e+00> : vector<8x128xf32>
    %dot_general3A_141 = tpu.matmul %mul3A_139, %max3A_134, %dot_general3A_140 {dimension_numbers = #tpu.dot_dimension_numbers<[0], [0], [1], [1], [0, 1, 1, 1], [], []>, transpose_lhs_hint = false} : vector<896x8xf32>, vector<896x128xf32>, vector<8x128xf32> -> vector<8x128xf32>
    %swap3A = arith.constant 0 : index
    %swap3A_142 = arith.constant 0 : index
    %swap3A_143 = vector.load %arg15[%swap3A, %swap3A_142] : memref<8x128xf32, #tpu.memory_space<vmem>>, vector<8x128xf32>
    tpu.vector_store %arg15[%swap3A, %swap3A_142], %dot_general3A_141 {strides = array<i32>} : memref<8x128xf32, #tpu.memory_space<vmem>>, vector<8x128xf32>,
    return
  }
  func.func @transform_0(%arg0: i32) -> (i32, i32) {
    %c0_i32 = arith.constant 0 : i32
    %c0_i32_0 = arith.constant 0 : i32
    return %arg0, %c0_i32 : i32, i32
  }
  func.func @transform_1(%arg0: i32) -> (i32, i32) {
    %c0_i32 = arith.constant 0 : i32
    %c0_i32_0 = arith.constant 0 : i32
    return %arg0, %c0_i32 : i32, i32
  }
  func.func @transform_2(%arg0: i32) -> (i32, i32) {
    %c0_i32 = arith.constant 0 : i32
    %c0_i32_0 = arith.constant 0 : i32
    return %arg0, %c0_i32 : i32, i32
  }
  func.func @transform_3(%arg0: i32) -> (i32, i32) {
    %c0_i32 = arith.constant 0 : i32
    %c0_i32_0 = arith.constant 0 : i32
    return %arg0, %c0_i32 : i32, i32
  }
  func.func @transform_4(%arg0: i32) -> (i32, i32) {
    %c0_i32 = arith.constant 0 : i32
    %c0_i32_0 = arith.constant 0 : i32
    return %arg0, %c0_i32 : i32, i32
  }
  func.func @transform_5(%arg0: i32) -> (i32, i32) {
    %c0_i32 = arith.constant 0 : i32
    %c0_i32_0 = arith.constant 0 : i32
    %c0_i32_1 = arith.constant 0 : i32
    return %c0_i32, %c0_i32_0 : i32, i32
  }
  func.func @transform_6(%arg0: i32) -> (i32, i32) {
    %c0_i32 = arith.constant 0 : i32
    %c0_i32_0 = arith.constant 0 : i32
    %c0_i32_1 = arith.constant 0 : i32
    return %c0_i32, %c0_i32_0 : i32, i32
  }
  func.func @transform_7(%arg0: i32) -> (i32, i32) {
    %c0_i32 = arith.constant 0 : i32
    %c0_i32_0 = arith.constant 0 : i32
    %c0_i32_1 = arith.constant 0 : i32
    return %c0_i32, %c0_i32_0 : i32, i32
  }
  func.func @transform_8(%arg0: i32) -> (i32, i32) {
    %c0_i32 = arith.constant 0 : i32
    %c0_i32_0 = arith.constant 0 : i32
    %c0_i32_1 = arith.constant 0 : i32
    return %c0_i32, %c0_i32_0 : i32, i32
  }
  func.func @transform_9(%arg0: i32) -> (i32, i32) {
    %c0_i32 = arith.constant 0 : i32
    %c0_i32_0 = arith.constant 0 : i32
    %c0_i32_1 = arith.constant 0 : i32
    return %c0_i32, %c0_i32_0 : i32, i32
  }
  func.func @transform_10(%arg0: i32) -> (i32, i32) {
    %c0_i32 = arith.constant 0 : i32
    %c0_i32_0 = arith.constant 0 : i32
    %c0_i32_1 = arith.constant 0 : i32
    return %c0_i32, %c0_i32_0 : i32, i32
  }
  func.func @transform_11(%arg0: i32) -> (i32, i32) {
    %c0_i32 = arith.constant 0 : i32
    %c0_i32_0 = arith.constant 0 : i32
    %c0_i32_1 = arith.constant 0 : i32
    return %c0_i32, %c0_i32_0 : i32, i32
  }
  func.func @transform_12(%arg0: i32) -> (i32, i32) {
    %c0_i32 = arith.constant 0 : i32
    %c0_i32_0 = arith.constant 0 : i32
    %c0_i32_1 = arith.constant 0 : i32
    return %c0_i32, %c0_i32_0 : i32, i32
  }
  func.func @transform_13(%arg0: i32) -> (i32, i32) {
    %c0_i32 = arith.constant 0 : i32
    %c0_i32_0 = arith.constant 0 : i32
    %c0_i32_1 = arith.constant 0 : i32
    return %c0_i32, %c0_i32_0 : i32, i32
  }
  func.func @transform_14(%arg0: i32) -> (i32, i32) {
    %c0_i32 = arith.constant 0 : i32
    %c0_i32_0 = arith.constant 0 : i32
    return %arg0, %c0_i32 : i32, i32
  }
}

module attributes {stable_mosaic.version = 14 : i64} {
  func.func @_epi_body(%arg0: i32, %arg1: memref<256x128xf32, #tpu.memory_space<vmem>>, %arg2: memref<256x128xf32, #tpu.memory_space<vmem>>, %arg3: memref<256x128xf32, #tpu.memory_space<vmem>>, %arg4: memref<128x128xf32, #tpu.memory_space<vmem>>, %arg5: memref<1x128xf32, #tpu.memory_space<vmem>>, %arg6: memref<1x128xf32, #tpu.memory_space<vmem>>, %arg7: memref<128x128xf32, #tpu.memory_space<vmem>>, %arg8: memref<1x128xf32, #tpu.memory_space<vmem>>, %arg9: memref<1x128xf32, #tpu.memory_space<vmem>>, %arg10: memref<256x128xf32, #tpu.memory_space<vmem>>) attributes {dimension_semantics = [#tpu.dimension_semantics<arbitrary>], iteration_bounds = array<i64: 16>, scalar_prefetch = 0 : i64, scratch_operands = 0 : i64, tpu.core_type = #tpu.core_type<tc>, window_params = [{transform_indices = @transform_0, window_bounds = array<i64: 256, 128>}, {transform_indices = @transform_1, window_bounds = array<i64: 256, 128>}, {transform_indices = @transform_2, window_bounds = array<i64: 256, 128>}, {pipeline_mode = #tpu.pipeline_mode<synchronous>, transform_indices = @transform_3, window_bounds = array<i64: 128, 128>}, {pipeline_mode = #tpu.pipeline_mode<synchronous>, transform_indices = @transform_4, window_bounds = array<i64: 1, 128>}, {pipeline_mode = #tpu.pipeline_mode<synchronous>, transform_indices = @transform_5, window_bounds = array<i64: 1, 128>}, {pipeline_mode = #tpu.pipeline_mode<synchronous>, transform_indices = @transform_6, window_bounds = array<i64: 128, 128>}, {pipeline_mode = #tpu.pipeline_mode<synchronous>, transform_indices = @transform_7, window_bounds = array<i64: 1, 128>}, {pipeline_mode = #tpu.pipeline_mode<synchronous>, transform_indices = @transform_8, window_bounds = array<i64: 1, 128>}, {transform_indices = @transform_9, window_bounds = array<i64: 256, 128>}]} {
    %get3A = arith.constant 0 : index
    %get3A_0 = arith.constant 0 : index
    %get3A_1 = vector.load %arg1[%get3A, %get3A_0] : memref<256x128xf32, #tpu.memory_space<vmem>>, vector<256x128xf32>
    %get3A_2 = arith.constant 0 : index
    %get3A_3 = arith.constant 0 : index
    %get3A_4 = vector.load %arg4[%get3A_2, %get3A_3] : memref<128x128xf32, #tpu.memory_space<vmem>>, vector<128x128xf32>
    %dot_general3A = arith.constant dense<0.000000e+00> : vector<256x128xf32>
    %dot_general3A_5 = tpu.matmul %get3A_1, %get3A_4, %dot_general3A {dimension_numbers = #tpu.dot_dimension_numbers<[1], [0], [0], [1], [0, 0, 1, 1], [], []>, transpose_lhs_hint = false} : vector<256x128xf32>, vector<128x128xf32>, vector<256x128xf32> -> vector<256x128xf32>
    %get3A_6 = arith.constant 0 : index
    %get3A_7 = arith.constant 0 : index
    %get3A_8 = vector.load %arg2[%get3A_6, %get3A_7] : memref<256x128xf32, #tpu.memory_space<vmem>>, vector<256x128xf32>
    %add3A = arith.addf %get3A_8, %dot_general3A_5 : vector<256x128xf32>
    %get3A_9 = arith.constant 0 : index
    %get3A_10 = arith.constant 0 : index
    %get3A_11 = vector.load %arg5[%get3A_9, %get3A_10] : memref<1x128xf32, #tpu.memory_space<vmem>>, vector<1x128xf32>
    %get3A_12 = arith.constant 0 : index
    %get3A_13 = arith.constant 0 : index
    %get3A_14 = vector.load %arg6[%get3A_12, %get3A_13] : memref<1x128xf32, #tpu.memory_space<vmem>>, vector<1x128xf32>
    %reduce_sum3A = arith.constant dense<0.000000e+00> : vector<256xf32>
    %reduce_sum3A_15 = vector.multi_reduction <add>, %add3A, %reduce_sum3A [1] : vector<256x128xf32> to vector<256xf32>
    %broadcast_in_dim3A = vector.shape_cast %reduce_sum3A_15 : vector<256xf32> to vector<256x1xf32>
    %div3A = arith.constant 1.280000e+02 : f32
    %div3A_16 = vector.broadcast %div3A : f32 to vector<256x1xf32>
    %div3A_17 = arith.divf %broadcast_in_dim3A, %div3A_16 : vector<256x1xf32>
    %sub3A = vector.broadcast %div3A_17 : vector<256x1xf32> to vector<256x128xf32>
    %sub3A_18 = arith.subf %add3A, %sub3A : vector<256x128xf32>
    %integer_pow3A = arith.mulf %sub3A_18, %sub3A_18 : vector<256x128xf32>
    %reduce_sum3A_19 = arith.constant dense<0.000000e+00> : vector<256xf32>
    %reduce_sum3A_20 = vector.multi_reduction <add>, %integer_pow3A, %reduce_sum3A_19 [1] : vector<256x128xf32> to vector<256xf32>
    %broadcast_in_dim3A_21 = vector.shape_cast %reduce_sum3A_20 : vector<256xf32> to vector<256x1xf32>
    %div3A_22 = arith.constant 1.280000e+02 : f32
    %div3A_23 = vector.broadcast %div3A_22 : f32 to vector<256x1xf32>
    %div3A_24 = arith.divf %broadcast_in_dim3A_21, %div3A_23 : vector<256x1xf32>
    %sub3A_25 = vector.broadcast %div3A_17 : vector<256x1xf32> to vector<256x128xf32>
    %sub3A_26 = arith.subf %add3A, %sub3A_25 : vector<256x128xf32>
    %add3A_27 = arith.constant 9.99999974E-6 : f32
    %add3A_28 = vector.broadcast %add3A_27 : f32 to vector<256x1xf32>
    %add3A_29 = arith.addf %div3A_24, %add3A_28 : vector<256x1xf32>
    %sqrt3A = math.sqrt %add3A_29 : vector<256x1xf32>
    %div3A_30 = vector.broadcast %sqrt3A : vector<256x1xf32> to vector<256x128xf32>
    %div3A_31 = arith.divf %sub3A_26, %div3A_30 : vector<256x128xf32>
    %mul3A = vector.broadcast %get3A_11 : vector<1x128xf32> to vector<256x128xf32>
    %mul3A_32 = arith.mulf %div3A_31, %mul3A : vector<256x128xf32>
    %add3A_33 = vector.broadcast %get3A_14 : vector<1x128xf32> to vector<256x128xf32>
    %add3A_34 = arith.addf %mul3A_32, %add3A_33 : vector<256x128xf32>
    %max3A = arith.constant 0.000000e+00 : f32
    %max3A_35 = vector.broadcast %max3A : f32 to vector<256x128xf32>
    %max3A_36 = arith.maximumf %add3A_34, %max3A_35 : vector<256x128xf32>
    %get3A_37 = arith.constant 0 : index
    %get3A_38 = arith.constant 0 : index
    %get3A_39 = vector.load %arg7[%get3A_37, %get3A_38] : memref<128x128xf32, #tpu.memory_space<vmem>>, vector<128x128xf32>
    %dot_general3A_40 = arith.constant dense<0.000000e+00> : vector<256x128xf32>
    %dot_general3A_41 = tpu.matmul %max3A_36, %get3A_39, %dot_general3A_40 {dimension_numbers = #tpu.dot_dimension_numbers<[1], [0], [0], [1], [0, 0, 1, 1], [], []>, transpose_lhs_hint = false} : vector<256x128xf32>, vector<128x128xf32>, vector<256x128xf32> -> vector<256x128xf32>
    %get3A_42 = arith.constant 0 : index
    %get3A_43 = arith.constant 0 : index
    %get3A_44 = vector.load %arg8[%get3A_42, %get3A_43] : memref<1x128xf32, #tpu.memory_space<vmem>>, vector<1x128xf32>
    %get3A_45 = arith.constant 0 : index
    %get3A_46 = arith.constant 0 : index
    %get3A_47 = vector.load %arg9[%get3A_45, %get3A_46] : memref<1x128xf32, #tpu.memory_space<vmem>>, vector<1x128xf32>
    %reduce_sum3A_48 = arith.constant dense<0.000000e+00> : vector<256xf32>
    %reduce_sum3A_49 = vector.multi_reduction <add>, %dot_general3A_41, %reduce_sum3A_48 [1] : vector<256x128xf32> to vector<256xf32>
    %broadcast_in_dim3A_50 = vector.shape_cast %reduce_sum3A_49 : vector<256xf32> to vector<256x1xf32>
    %div3A_51 = arith.constant 1.280000e+02 : f32
    %div3A_52 = vector.broadcast %div3A_51 : f32 to vector<256x1xf32>
    %div3A_53 = arith.divf %broadcast_in_dim3A_50, %div3A_52 : vector<256x1xf32>
    %sub3A_54 = vector.broadcast %div3A_53 : vector<256x1xf32> to vector<256x128xf32>
    %sub3A_55 = arith.subf %dot_general3A_41, %sub3A_54 : vector<256x128xf32>
    %integer_pow3A_56 = arith.mulf %sub3A_55, %sub3A_55 : vector<256x128xf32>
    %reduce_sum3A_57 = arith.constant dense<0.000000e+00> : vector<256xf32>
    %reduce_sum3A_58 = vector.multi_reduction <add>, %integer_pow3A_56, %reduce_sum3A_57 [1] : vector<256x128xf32> to vector<256xf32>
    %broadcast_in_dim3A_59 = vector.shape_cast %reduce_sum3A_58 : vector<256xf32> to vector<256x1xf32>
    %div3A_60 = arith.constant 1.280000e+02 : f32
    %div3A_61 = vector.broadcast %div3A_60 : f32 to vector<256x1xf32>
    %div3A_62 = arith.divf %broadcast_in_dim3A_59, %div3A_61 : vector<256x1xf32>
    %sub3A_63 = vector.broadcast %div3A_53 : vector<256x1xf32> to vector<256x128xf32>
    %sub3A_64 = arith.subf %dot_general3A_41, %sub3A_63 : vector<256x128xf32>
    %add3A_65 = arith.constant 9.99999974E-6 : f32
    %add3A_66 = vector.broadcast %add3A_65 : f32 to vector<256x1xf32>
    %add3A_67 = arith.addf %div3A_62, %add3A_66 : vector<256x1xf32>
    %sqrt3A_68 = math.sqrt %add3A_67 : vector<256x1xf32>
    %div3A_69 = vector.broadcast %sqrt3A_68 : vector<256x1xf32> to vector<256x128xf32>
    %div3A_70 = arith.divf %sub3A_64, %div3A_69 : vector<256x128xf32>
    %mul3A_71 = vector.broadcast %get3A_44 : vector<1x128xf32> to vector<256x128xf32>
    %mul3A_72 = arith.mulf %div3A_70, %mul3A_71 : vector<256x128xf32>
    %add3A_73 = vector.broadcast %get3A_47 : vector<1x128xf32> to vector<256x128xf32>
    %add3A_74 = arith.addf %mul3A_72, %add3A_73 : vector<256x128xf32>
    %get3A_75 = arith.constant 0 : index
    %get3A_76 = arith.constant 0 : index
    %get3A_77 = vector.load %arg3[%get3A_75, %get3A_76] : memref<256x128xf32, #tpu.memory_space<vmem>>, vector<256x128xf32>
    %add3A_78 = arith.addf %add3A_74, %get3A_77 : vector<256x128xf32>
    %max3A_79 = arith.constant 0.000000e+00 : f32
    %max3A_80 = vector.broadcast %max3A_79 : f32 to vector<256x128xf32>
    %max3A_81 = arith.maximumf %add3A_78, %max3A_80 : vector<256x128xf32>
    %swap3A = arith.constant 0 : index
    %swap3A_82 = arith.constant 0 : index
    %swap3A_83 = vector.load %arg10[%swap3A, %swap3A_82] : memref<256x128xf32, #tpu.memory_space<vmem>>, vector<256x128xf32>
    tpu.vector_store %arg10[%swap3A, %swap3A_82], %max3A_81 {strides = array<i32>} : memref<256x128xf32, #tpu.memory_space<vmem>>, vector<256x128xf32>,
    return
  }
  func.func @transform_0(%arg0: i32) -> (i32, i32) {
    %c0_i32 = arith.constant 0 : i32
    %c0_i32_0 = arith.constant 0 : i32
    return %arg0, %c0_i32 : i32, i32
  }
  func.func @transform_1(%arg0: i32) -> (i32, i32) {
    %c0_i32 = arith.constant 0 : i32
    %c0_i32_0 = arith.constant 0 : i32
    return %arg0, %c0_i32 : i32, i32
  }
  func.func @transform_2(%arg0: i32) -> (i32, i32) {
    %c0_i32 = arith.constant 0 : i32
    %c0_i32_0 = arith.constant 0 : i32
    return %arg0, %c0_i32 : i32, i32
  }
  func.func @transform_3(%arg0: i32) -> (i32, i32) {
    %c0_i32 = arith.constant 0 : i32
    %c0_i32_0 = arith.constant 0 : i32
    %c0_i32_1 = arith.constant 0 : i32
    return %c0_i32, %c0_i32_0 : i32, i32
  }
  func.func @transform_4(%arg0: i32) -> (i32, i32) {
    %c0_i32 = arith.constant 0 : i32
    %c0_i32_0 = arith.constant 0 : i32
    %c0_i32_1 = arith.constant 0 : i32
    return %c0_i32, %c0_i32_0 : i32, i32
  }
  func.func @transform_5(%arg0: i32) -> (i32, i32) {
    %c0_i32 = arith.constant 0 : i32
    %c0_i32_0 = arith.constant 0 : i32
    %c0_i32_1 = arith.constant 0 : i32
    return %c0_i32, %c0_i32_0 : i32, i32
  }
  func.func @transform_6(%arg0: i32) -> (i32, i32) {
    %c0_i32 = arith.constant 0 : i32
    %c0_i32_0 = arith.constant 0 : i32
    %c0_i32_1 = arith.constant 0 : i32
    return %c0_i32, %c0_i32_0 : i32, i32
  }
  func.func @transform_7(%arg0: i32) -> (i32, i32) {
    %c0_i32 = arith.constant 0 : i32
    %c0_i32_0 = arith.constant 0 : i32
    %c0_i32_1 = arith.constant 0 : i32
    return %c0_i32, %c0_i32_0 : i32, i32
  }
  func.func @transform_8(%arg0: i32) -> (i32, i32) {
    %c0_i32 = arith.constant 0 : i32
    %c0_i32_0 = arith.constant 0 : i32
    %c0_i32_1 = arith.constant 0 : i32
    return %c0_i32, %c0_i32_0 : i32, i32
  }
  func.func @transform_9(%arg0: i32) -> (i32, i32) {
    %c0_i32 = arith.constant 0 : i32
    %c0_i32_0 = arith.constant 0 : i32
    return %arg0, %c0_i32 : i32, i32
  }
}

module attributes {stable_mosaic.version = 14 : i64} {
  func.func @_pre_body(%arg0: i32, %arg1: memref<256x128xf32, #tpu.memory_space<vmem>>, %arg2: memref<256x128xf32, #tpu.memory_space<vmem>>, %arg3: memref<128x128xf32, #tpu.memory_space<vmem>>, %arg4: memref<1x128xf32, #tpu.memory_space<vmem>>, %arg5: memref<1x128xf32, #tpu.memory_space<vmem>>, %arg6: memref<128x128xf32, #tpu.memory_space<vmem>>, %arg7: memref<128x128xf32, #tpu.memory_space<vmem>>, %arg8: memref<128x128xf32, #tpu.memory_space<vmem>>, %arg9: memref<256x128xf32, #tpu.memory_space<vmem>>, %arg10: memref<256x128xf32, #tpu.memory_space<vmem>>, %arg11: memref<256x128xf32, #tpu.memory_space<vmem>>) attributes {dimension_semantics = [#tpu.dimension_semantics<arbitrary>], iteration_bounds = array<i64: 16>, scalar_prefetch = 0 : i64, scratch_operands = 0 : i64, tpu.core_type = #tpu.core_type<tc>, window_params = [{transform_indices = @transform_0, window_bounds = array<i64: 256, 128>}, {transform_indices = @transform_1, window_bounds = array<i64: 256, 128>}, {pipeline_mode = #tpu.pipeline_mode<synchronous>, transform_indices = @transform_2, window_bounds = array<i64: 128, 128>}, {pipeline_mode = #tpu.pipeline_mode<synchronous>, transform_indices = @transform_3, window_bounds = array<i64: 1, 128>}, {pipeline_mode = #tpu.pipeline_mode<synchronous>, transform_indices = @transform_4, window_bounds = array<i64: 1, 128>}, {pipeline_mode = #tpu.pipeline_mode<synchronous>, transform_indices = @transform_5, window_bounds = array<i64: 128, 128>}, {pipeline_mode = #tpu.pipeline_mode<synchronous>, transform_indices = @transform_6, window_bounds = array<i64: 128, 128>}, {pipeline_mode = #tpu.pipeline_mode<synchronous>, transform_indices = @transform_7, window_bounds = array<i64: 128, 128>}, {transform_indices = @transform_8, window_bounds = array<i64: 256, 128>}, {transform_indices = @transform_9, window_bounds = array<i64: 256, 128>}, {transform_indices = @transform_10, window_bounds = array<i64: 256, 128>}]} {
    %get3A = arith.constant 0 : index
    %get3A_0 = arith.constant 0 : index
    %get3A_1 = vector.load %arg1[%get3A, %get3A_0] : memref<256x128xf32, #tpu.memory_space<vmem>>, vector<256x128xf32>
    %get3A_2 = arith.constant 0 : index
    %get3A_3 = arith.constant 0 : index
    %get3A_4 = vector.load %arg2[%get3A_2, %get3A_3] : memref<256x128xf32, #tpu.memory_space<vmem>>, vector<256x128xf32>
    %get3A_5 = arith.constant 0 : index
    %get3A_6 = arith.constant 0 : index
    %get3A_7 = vector.load %arg3[%get3A_5, %get3A_6] : memref<128x128xf32, #tpu.memory_space<vmem>>, vector<128x128xf32>
    %dot_general3A = arith.constant dense<0.000000e+00> : vector<256x128xf32>
    %dot_general3A_8 = tpu.matmul %get3A_1, %get3A_7, %dot_general3A {dimension_numbers = #tpu.dot_dimension_numbers<[1], [0], [0], [1], [0, 0, 1, 1], [], []>, transpose_lhs_hint = false} : vector<256x128xf32>, vector<128x128xf32>, vector<256x128xf32> -> vector<256x128xf32>
    %get3A_9 = arith.constant 0 : index
    %get3A_10 = arith.constant 0 : index
    %get3A_11 = vector.load %arg4[%get3A_9, %get3A_10] : memref<1x128xf32, #tpu.memory_space<vmem>>, vector<1x128xf32>
    %get3A_12 = arith.constant 0 : index
    %get3A_13 = arith.constant 0 : index
    %get3A_14 = vector.load %arg5[%get3A_12, %get3A_13] : memref<1x128xf32, #tpu.memory_space<vmem>>, vector<1x128xf32>
    %reduce_sum3A = arith.constant dense<0.000000e+00> : vector<256xf32>
    %reduce_sum3A_15 = vector.multi_reduction <add>, %dot_general3A_8, %reduce_sum3A [1] : vector<256x128xf32> to vector<256xf32>
    %broadcast_in_dim3A = vector.shape_cast %reduce_sum3A_15 : vector<256xf32> to vector<256x1xf32>
    %div3A = arith.constant 1.280000e+02 : f32
    %div3A_16 = vector.broadcast %div3A : f32 to vector<256x1xf32>
    %div3A_17 = arith.divf %broadcast_in_dim3A, %div3A_16 : vector<256x1xf32>
    %sub3A = vector.broadcast %div3A_17 : vector<256x1xf32> to vector<256x128xf32>
    %sub3A_18 = arith.subf %dot_general3A_8, %sub3A : vector<256x128xf32>
    %integer_pow3A = arith.mulf %sub3A_18, %sub3A_18 : vector<256x128xf32>
    %reduce_sum3A_19 = arith.constant dense<0.000000e+00> : vector<256xf32>
    %reduce_sum3A_20 = vector.multi_reduction <add>, %integer_pow3A, %reduce_sum3A_19 [1] : vector<256x128xf32> to vector<256xf32>
    %broadcast_in_dim3A_21 = vector.shape_cast %reduce_sum3A_20 : vector<256xf32> to vector<256x1xf32>
    %div3A_22 = arith.constant 1.280000e+02 : f32
    %div3A_23 = vector.broadcast %div3A_22 : f32 to vector<256x1xf32>
    %div3A_24 = arith.divf %broadcast_in_dim3A_21, %div3A_23 : vector<256x1xf32>
    %sub3A_25 = vector.broadcast %div3A_17 : vector<256x1xf32> to vector<256x128xf32>
    %sub3A_26 = arith.subf %dot_general3A_8, %sub3A_25 : vector<256x128xf32>
    %add3A = arith.constant 9.99999974E-6 : f32
    %add3A_27 = vector.broadcast %add3A : f32 to vector<256x1xf32>
    %add3A_28 = arith.addf %div3A_24, %add3A_27 : vector<256x1xf32>
    %sqrt3A = math.sqrt %add3A_28 : vector<256x1xf32>
    %div3A_29 = vector.broadcast %sqrt3A : vector<256x1xf32> to vector<256x128xf32>
    %div3A_30 = arith.divf %sub3A_26, %div3A_29 : vector<256x128xf32>
    %mul3A = vector.broadcast %get3A_11 : vector<1x128xf32> to vector<256x128xf32>
    %mul3A_31 = arith.mulf %div3A_30, %mul3A : vector<256x128xf32>
    %add3A_32 = vector.broadcast %get3A_14 : vector<1x128xf32> to vector<256x128xf32>
    %add3A_33 = arith.addf %mul3A_31, %add3A_32 : vector<256x128xf32>
    %max3A = arith.constant 0.000000e+00 : f32
    %max3A_34 = vector.broadcast %max3A : f32 to vector<256x128xf32>
    %max3A_35 = arith.maximumf %add3A_33, %max3A_34 : vector<256x128xf32>
    %get3A_36 = arith.constant 0 : index
    %get3A_37 = arith.constant 0 : index
    %get3A_38 = vector.load %arg6[%get3A_36, %get3A_37] : memref<128x128xf32, #tpu.memory_space<vmem>>, vector<128x128xf32>
    %dot_general3A_39 = arith.constant dense<0.000000e+00> : vector<256x128xf32>
    %dot_general3A_40 = tpu.matmul %max3A_35, %get3A_38, %dot_general3A_39 {dimension_numbers = #tpu.dot_dimension_numbers<[1], [0], [0], [1], [0, 0, 1, 1], [], []>, transpose_lhs_hint = false} : vector<256x128xf32>, vector<128x128xf32>, vector<256x128xf32> -> vector<256x128xf32>
    %swap3A = arith.constant 0 : index
    %swap3A_41 = arith.constant 0 : index
    %swap3A_42 = vector.load %arg9[%swap3A, %swap3A_41] : memref<256x128xf32, #tpu.memory_space<vmem>>, vector<256x128xf32>
    tpu.vector_store %arg9[%swap3A, %swap3A_41], %dot_general3A_40 {strides = array<i32>} : memref<256x128xf32, #tpu.memory_space<vmem>>, vector<256x128xf32>,
    %get3A_43 = arith.constant 0 : index
    %get3A_44 = arith.constant 0 : index
    %get3A_45 = vector.load %arg7[%get3A_43, %get3A_44] : memref<128x128xf32, #tpu.memory_space<vmem>>, vector<128x128xf32>
    %dot_general3A_46 = arith.constant dense<0.000000e+00> : vector<256x128xf32>
    %dot_general3A_47 = tpu.matmul %get3A_4, %get3A_45, %dot_general3A_46 {dimension_numbers = #tpu.dot_dimension_numbers<[1], [0], [0], [1], [0, 0, 1, 1], [], []>, transpose_lhs_hint = false} : vector<256x128xf32>, vector<128x128xf32>, vector<256x128xf32> -> vector<256x128xf32>
    %swap3A_48 = arith.constant 0 : index
    %swap3A_49 = arith.constant 0 : index
    %swap3A_50 = vector.load %arg10[%swap3A_48, %swap3A_49] : memref<256x128xf32, #tpu.memory_space<vmem>>, vector<256x128xf32>
    tpu.vector_store %arg10[%swap3A_48, %swap3A_49], %dot_general3A_47 {strides = array<i32>} : memref<256x128xf32, #tpu.memory_space<vmem>>, vector<256x128xf32>,
    %get3A_51 = arith.constant 0 : index
    %get3A_52 = arith.constant 0 : index
    %get3A_53 = vector.load %arg8[%get3A_51, %get3A_52] : memref<128x128xf32, #tpu.memory_space<vmem>>, vector<128x128xf32>
    %dot_general3A_54 = arith.constant dense<0.000000e+00> : vector<256x128xf32>
    %dot_general3A_55 = tpu.matmul %get3A_1, %get3A_53, %dot_general3A_54 {dimension_numbers = #tpu.dot_dimension_numbers<[1], [0], [0], [1], [0, 0, 1, 1], [], []>, transpose_lhs_hint = false} : vector<256x128xf32>, vector<128x128xf32>, vector<256x128xf32> -> vector<256x128xf32>
    %swap3A_56 = arith.constant 0 : index
    %swap3A_57 = arith.constant 0 : index
    %swap3A_58 = vector.load %arg11[%swap3A_56, %swap3A_57] : memref<256x128xf32, #tpu.memory_space<vmem>>, vector<256x128xf32>
    tpu.vector_store %arg11[%swap3A_56, %swap3A_57], %dot_general3A_55 {strides = array<i32>} : memref<256x128xf32, #tpu.memory_space<vmem>>, vector<256x128xf32>,
    return
  }
  func.func @transform_0(%arg0: i32) -> (i32, i32) {
    %c0_i32 = arith.constant 0 : i32
    %c0_i32_0 = arith.constant 0 : i32
    return %arg0, %c0_i32 : i32, i32
  }
  func.func @transform_1(%arg0: i32) -> (i32, i32) {
    %c0_i32 = arith.constant 0 : i32
    %c0_i32_0 = arith.constant 0 : i32
    return %arg0, %c0_i32 : i32, i32
  }
  func.func @transform_2(%arg0: i32) -> (i32, i32) {
    %c0_i32 = arith.constant 0 : i32
    %c0_i32_0 = arith.constant 0 : i32
    %c0_i32_1 = arith.constant 0 : i32
    return %c0_i32, %c0_i32_0 : i32, i32
  }
  func.func @transform_3(%arg0: i32) -> (i32, i32) {
    %c0_i32 = arith.constant 0 : i32
    %c0_i32_0 = arith.constant 0 : i32
    %c0_i32_1 = arith.constant 0 : i32
    return %c0_i32, %c0_i32_0 : i32, i32
  }
  func.func @transform_4(%arg0: i32) -> (i32, i32) {
    %c0_i32 = arith.constant 0 : i32
    %c0_i32_0 = arith.constant 0 : i32
    %c0_i32_1 = arith.constant 0 : i32
    return %c0_i32, %c0_i32_0 : i32, i32
  }
  func.func @transform_5(%arg0: i32) -> (i32, i32) {
    %c0_i32 = arith.constant 0 : i32
    %c0_i32_0 = arith.constant 0 : i32
    %c0_i32_1 = arith.constant 0 : i32
    return %c0_i32, %c0_i32_0 : i32, i32
  }
  func.func @transform_6(%arg0: i32) -> (i32, i32) {
    %c0_i32 = arith.constant 0 : i32
    %c0_i32_0 = arith.constant 0 : i32
    %c0_i32_1 = arith.constant 0 : i32
    return %c0_i32, %c0_i32_0 : i32, i32
  }
  func.func @transform_7(%arg0: i32) -> (i32, i32) {
    %c0_i32 = arith.constant 0 : i32
    %c0_i32_0 = arith.constant 0 : i32
    %c0_i32_1 = arith.constant 0 : i32
    return %c0_i32, %c0_i32_0 : i32, i32
  }
  func.func @transform_8(%arg0: i32) -> (i32, i32) {
    %c0_i32 = arith.constant 0 : i32
    %c0_i32_0 = arith.constant 0 : i32
    return %arg0, %c0_i32 : i32, i32
  }
  func.func @transform_9(%arg0: i32) -> (i32, i32) {
    %c0_i32 = arith.constant 0 : i32
    %c0_i32_0 = arith.constant 0 : i32
    return %arg0, %c0_i32 : i32, i32
  }
  func.func @transform_10(%arg0: i32) -> (i32, i32) {
    %c0_i32 = arith.constant 0 : i32
    %c0_i32_0 = arith.constant 0 : i32
    return %arg0, %c0_i32 : i32, i32
  }
}

</mosaic_0001>

<sc_bundles>
// kernel: kernel.10.cloned.1.call-start
scs
__scs_entry_jumppad:
0x0: {  	(pc) =	sbr.rel $0x88, $3  }
0x1: {  	(tag) =	ssettag $0x0;
	lr =	simm.s32 $0x1  }
0x2: {  	[smem:$0x3F8A] =	sst lr;
	_ =	strace $0xD0000000  }
0x3: {  	_ = 	snop  }
0x4: {  	_ = 	snop  }
0x5: {  	_ = 	snop  }
0x6: {  	_ = 	snop  }
0x7: {  	_ = 	snop  }
__scs_overlays_trampoline_lowered:
0x8: {  	[smem:$0x3F99] =	sst s0  }
0x9: {  	[smem:$0x3F9A] =	sst s1  }
0xa: {  	[smem:$0x3F9B] =	sst s2  }
0xb: {  	[smem:$0x3F9C] =	sst s3  }
0xc: {  	[smem:$0x3F9D] =	sst s4  }
0xd: {  	[smem:$0x3F9E] =	sst s5  }
0xe: {  	[smem:$0x3F9F] =	sst s6  }
0xf: {  	[smem:$0x3FA0] =	sst s7  }
0x10: {  	[smem:$0x3FA1] =	sst s8  }
0x11: {  	[smem:$0x3FA2] =	sst s9;
	s0 =	simm.s32 @!p0 $0x0  }
0x12: {  	s1 =	sld [smem:$0x3F88];
	s0 =	simm.s32 @p0 $0x1  }
0x13: {  	[smem:$0x3FA3] =	sst s0;
	s0 =	simm.s32 @!p1 $0x0  }
0x14: {  	s2 =	sld [smem:$0x3F87];
	s0 =	simm.s32 @p1 $0x1  }
0x15: {  	[smem:$0x3FA4] =	sst s0;
	s0 =	simm.s32 @!p2 $0x0  }
0x16: {  	s3 =	sld [smem:$0x3FDB];
	s0 =	simm.s32 @p2 $0x1  }
0x17: {  	s4 =	simm.s32 $0x1BF5;
	[smem:$0x3FA6] =	sst s0  }
0x18: {  	s0 =	sld [smem:$0x3F89];
	_ =	swait.ge [sflag:s4], $0x0  }
0x19: {  	s7 =	sld [smem:$0x3F8A]  }
0x1a: {  	s8 =	sadd.s32 $0xFFFFE003, lr  }
0x1b: {  	s9 =	sadd.s32 $0xFFFFFEF7, lr;
	s5 =	simm.s32 $0xFFFFFFFF;
	p2 =	slt.u32 s8, $0xFFFFF086  }
0x1c: {  	p1 =	slt.u32 s9, $0xF7A;
	s5 =	simm.s32 @!p2 $0x0  }
0x1d: {  	s5 =	simm.s32 @p1 $0x1;
	p0 =	seq.s32 s7, s2  }
0x1e: {  	s7 =	smul.u32 @!p0 $0xF7A, s2;
	p2 =	seq.s32 @!p0 s5, $0x0  }
0x1f: {  	s9 =	smul.u32 $0xF7A, s1;
	s8 =	simm.s32 @!p0 $0x1BF5;
	p2 =	por !p2, p0  }
0x20: {  	[sflag:s8] =	ssyncset.s32 @!p0 $0xFFFFF086;
	s6 =	sadd.s32 @!p0 s3, s7;
	s7 =	simm.s32 @!p0 $0x108  }
0x21: {  	s3 =	sadd.s32 s3, s9;
	s6 =	sadd.s32 @!p0 $0x88, s6;
	s7 =	simm.s32 @p2 $0x1082  }
0x22: {  	[simem:s7], [sflag:s8] =	dma.local @!p0 [hbm:s6], $0xF7A  }
0x23: {  	s9 =	sor.u32 $0xD0000000, s2;
	s6 =	simm.s32 $0x108;
	_ =	swait.ge @!p0 [sflag:s8], $0x0  }
0x24: {  	s3 =	sadd.s32 $0x88, s3;
	s6 =	simm.s32 @!p1 $0x1082;
	[sflag:s4] =	ssyncset.s32 $0xFFFFF086  }
0x25: {  	[simem:s6], [sflag:s4] =	dma.local [hbm:s3], $0xF7A  }
0x26: {  	[smem:$0x3F8A] =	sst s1;
	(tag) =	ssettag s2;
	_ =	strace s9  }
0x27: {  	s1 =	sld [smem:$0x3F9A]  }
0x28: {  	s2 =	sld [smem:$0x3F9B]  }
0x29: {  	s4 =	sld [smem:$0x3F9D]  }
0x2a: {  	p0 =	seq.s32 s5, $0x0;
	s5 =	sld [smem:$0x3F9E]  }
0x2b: {  	s6 =	sld [smem:$0x3F9F]  }
0x2c: {  	s7 =	sld [smem:$0x3FA0]  }
0x2d: {  	s3 =	simm.s32 $0x108;
	s8 =	sld [smem:$0x3FA1]  }
0x2e: {  	s3 =	simm.s32 @!p0 $0x1082;
	s9 =	sld [smem:$0x3FA2]  }
0x2f: {  	lr =	sadd.s32 s0, s3;
	s0 =	sld [smem:$0x3F99]  }
0x30: {  	s3 =	sld [smem:$0x3F9C]  }
0x31: {  	[smem:$0x3FA5] =	sst s10  }
0x32: {  	s10 =	sld [smem:$0x3FA3];
	_ =	sdelay $0x3  }
0x33: {  	p0 =	seq.s32 s10, $0x1;
	s10 =	sld [smem:$0x3FA5];
	_ =	sdelay $0x3  }
0x34: {  	[smem:$0x3FA5] =	sst s10  }
0x35: {  	s10 =	sld [smem:$0x3FA4];
	_ =	sdelay $0x3  }
0x36: {  	p1 =	seq.s32 s10, $0x1;
	s10 =	sld [smem:$0x3FA5];
	_ =	sdelay $0x3  }
0x37: {  	[smem:$0x3FA5] =	sst s10  }
0x38: {  	s10 =	sld [smem:$0x3FA6]  }
0x39: {  	_ = 	snop;
	(pc) =	sbr.ind lr, $3  }
0x3a: {  	_ = 	snop  }
0x3b: {  	_ = 	snop  }
0x3c: {  	p2 =	seq.s32 s10, $0x1;
	s10 =	sld [smem:$0x3FA5]  }
0x3d: {  	_ =	shalt  }
0x3e: {  	_ =	shalt  }
0x3f: {  	_ =	shalt  }
0x40: {  	_ =	shalt  }
0x41: {  	_ =	shalt  }
0x42: {  	_ =	shalt  }
0x43: {  	_ =	shalt  }
0x44: {  	_ =	shalt  }
0x45: {  	_ =	shalt  }
0x46: {  	_ =	shalt  }
0x47: {  	_ =	shalt  }
0x48: {  	_ =	shalt  }
0x49: {  	_ =	shalt  }
0x4a: {  	_ =	shalt  }
0x4b: {  	_ =	shalt  }
0x4c: {  	_ =	shalt  }
0x4d: {  	_ =	shalt  }
0x4e: {  	_ =	shalt  }
0x4f: {  	_ =	shalt  }
0x50: {  	_ =	shalt  }
0x51: {  	_ =	shalt  }
0x52: {  	_ =	shalt  }
0x53: {  	_ =	shalt  }
0x54: {  	_ =	shalt  }
0x55: {  	_ =	shalt  }
0x56: {  	_ =	shalt  }
0x57: {  	_ =	shalt  }
0x58: {  	_ =	shalt  }
0x59: {  	_ =	shalt  }
0x5a: {  	_ =	shalt  }
0x5b: {  	_ =	shalt  }
0x5c: {  	_ =	shalt  }
0x5d: {  	_ =	shalt  }
0x5e: {  	_ =	shalt  }
0x5f: {  	_ =	shalt  }
0x60: {  	_ =	shalt  }
0x61: {  	_ =	shalt  }
0x62: {  	_ =	shalt  }
0x63: {  	_ =	shalt  }
0x64: {  	_ =	shalt  }
0x65: {  	_ =	shalt  }
0x66: {  	_ =	shalt  }
0x67: {  	_ =	shalt  }
0x68: {  	_ =	shalt  }
0x69: {  	_ =	shalt  }
0x6a: {  	_ =	shalt  }
0x6b: {  	_ =	shalt  }
0x6c: {  	_ =	shalt  }
0x6d: {  	_ =	shalt  }
0x6e: {  	_ =	shalt  }
0x6f: {  	_ =	shalt  }
0x70: {  	_ =	shalt  }
0x71: {  	_ =	shalt  }
0x72: {  	_ =	shalt  }
0x73: {  	_ =	shalt  }
0x74: {  	_ =	shalt  }
0x75: {  	_ =	shalt  }
0x76: {  	_ =	shalt  }
0x77: {  	_ =	shalt  }
0x78: {  	_ =	shalt  }
0x79: {  	_ =	shalt  }
0x7a: {  	_ =	shalt  }
0x7b: {  	_ =	shalt  }
0x7c: {  	_ =	shalt  }
0x7d: {  	_ =	shalt  }
0x7e: {  	_ =	shalt  }
0x7f: {  	_ =	shalt  }
0x80: {  	_ =	shalt  }
0x81: {  	_ =	shalt  }
0x82: {  	_ =	shalt  }
0x83: {  	_ =	shalt  }
0x84: {  	_ =	shalt  }
0x85: {  	_ =	shalt  }
0x86: {  	_ =	shalt  }
0x87: {  	_ =	shalt  }
.Lfunc_end0:
.L_simem_size_0:
called_computation.1_lowered:
.L_overlay_start_0:
0x88: {  	s2 =	sld [smem:$0x3FD9]  }
0x89: {  	s3 =	sld [smem:$0x3FFE];
	_ =	sdelay $0x1  }
0x8a: {  	s1 =	srdreg.scid  }
0x8b: {  	s0 =	sand.u32 $0x1, s1  }
0x8c: {  	s17 =	sshll.u32 s0, $0xA;
	s2 =	sadd.s32 s3, s2  }
0x8d: {  	s2 =	sadd.s32 s2, s17  }
0x8e: {  	[smem:$0x3FB1] =	sst s2  }
0x8f: {  	_ = 	snop  }
0x90: {  	s2 =	sld [smem:$0x3FD0];
	(tm) =	ssettm $0x1  }
0x91: {  	s18 =	sld [smem:$0x3FFB];
	_ =	sdelay $0x3  }
0x92: {  	_ =	strace s18  }
0x93: {  	s3 =	sld [smem:$0x3FFC];
	_ =	sdelay $0x3  }
0x94: {  	_ =	strace s3  }
0x95: {  	s3 =	sld [smem:$0x3FFD];
	_ =	sdelay $0x3  }
0x96: {  	_ =	strace s3  }
0x97: {  	_ =	strace $0x8FFFFFFF  }
0x98: {  	s19 =	sld [smem:$0x3FDB];
	_ =	sdelay $0x1  }
0x99: {  	s4 =	simm.s32 $_scs_section_size  }
0x9a: {  	s5 =	simm.s32 $_size__tile_overlayer_lowered;
	s6 =	simm.s32 $_tile_overlayer_lowered  }
0x9b: {  	s22 =	simm.s32 $0x1BFF;
	s21 =	sshll.u32 s6, $0x1;
	s3 =	sadd.s32 s4, s19  }
0x9c: {  	s7 =	simm.s32 $0x0;
	s20 =	sshll.u32 s5, $0x1;
	s5 =	sadd.s32 s21, s3  }
0x9d: {  	[timem:s7], [sflag:s22] =	dma.local [hbm:s5], s20  }
0x9e: {  	_ =	swait.ge [sflag:s22], s20  }
0x9f: {  	s4 =	ssub.s32 $0x0, s20;
	[sflag:s22] =	ssyncset.done $0x0  }
0xa0: {  	[sflag:s22] =	ssyncadd.s32 s4;
	_ =	sdelay $0x1  }
0xa1: {  	s23 =	simm.s32 $0x1B8B  }
0xa2: {  	_ =	swait.ge [sflag:s23], $0x1  }
0xa3: {  	[sflag:s23] =	ssyncset.done $0x0  }
0xa4: {  	s25 =	simm.s32 $0x1B8E;
	s24 =	sld [smem:$0x3FFE];
	[sflag:s23] =	ssyncadd.s32 $0xFFFFFFFF  }
0xa5: {  	s26 =	simm.s32 $execute0_lowered;
	[smem:$0x3FD2] =	sst s25  }
0xa6: {  	s5 =	sshll.u32 s26, $0x1;
	_ =	strace $0x80000049;
	[dreg:$0x1] =	wrdreg $0xFFFFFFFF  }
0xa7: {  	s28 =	simm.s32 $_size_execute0_lowered;
	s3 =	sadd.s32 s3, s5;
	[dreg:$0x0] =	wrdreg $0x0  }
0xa8: {  	s5 =	sshll.u32 s28, $0x1;
	[dreg:$0x2] =	wrdreg s3  }
0xa9: {  	[dreg:$0x3] =	wrdreg s5  }
0xaa: {  	[dreg:$0x4] =	wrdreg $0xC0  }
0xab: {  	_ =	task [dreg:s7], $0x5FFFF  }
0xac: {  	[dreg:$0x1] =	wrdreg $0xFFFFFFFF  }
0xad: {  	[dreg:$0x0] =	wrdreg $0x60  }
0xae: {  	[dreg:$0x2] =	wrdreg s2  }
0xaf: {  	[dreg:$0x3] =	wrdreg s24  }
0xb0: {  	[dreg:$0x4] =	wrdreg $0x138000  }
0xb1: {  	[dreg:$0x5] =	wrdreg $0x9  }
0xb2: {  	_ =	task.clear_ibuf [dreg:s7], $0x6FFFF;
	_ =	strace $0x90000049  }
0xb3: {  	s29 =	simm.s32 $0x9;
	_ =	strace $0x8000004B  }
0xb4: {  	_ =	swait.ge [sflag:s29], $0x1  }
0xb5: {  	[sflag:s29] =	ssyncadd.s32 $0xFFFFFFFF  }
0xb6: {  	_ =	strace $0x9000004B  }
0xb7: {  	_ =	sfence  }
0xb8: {  	s30 =	sld [smem:$0x0];
	_ =	sdelay $0x2  }
0xb9: {  	s31 =	sshll.u32 s1, $0xD;
	s1 =	sshrl.u32 s1, $0x2  }
0xba: {  	s3 =	sand.u32 $0x4000, s31;
	s1 =	sadd.s32 s1, s30  }
0xbb: {  	s0 =	sor.u32 s3, s0;
	s1 =	sshll.u32 s1, $0x11  }
0xbc: {  	s0 =	sor.u32 s1, s0  }
0xbd: {  	s0 =	sadd.s32 $0x8F2B, s0  }
0xbe: {  	[sflag:s0] =	ssyncadd.remote.s32 $0x1  }
0xbf: {  	_ =	sfence.sel $0xFFFF  }
0xc0: {  	[dreg:$0x0] =	wrdreg $0xFFFFFFFF;
	(pc) =	sbr.abs _section_cstart, $3  }
0xc1: {  	[dreg:$0x1] =	wrdreg $0xFFFFFFFF  }
0xc2: {  	_ =	task.clear_ibuf [dreg:s7], $0x2FFFF;
	_ =	strace $0x9FFFFFFF  }
0xc3: {  	(tm) =	ssettm $0x7FFFFFFF  }
tec
execute0_lowered:
.L_overlay_start_1:
0x0: {  	(tag) =	ssettag $0x1  }
0x1: {  	s4 =	rddreg [dreg:$0x0];
	s1 =	srdreg.scid  }
0x2: {  	s0 =	stileid.u32;
	s5 =	rddreg [dreg:$0x1]  }
0x3: {  	s2 =	rddreg [dreg:$0x2];
	s3 =	simm.s32 $0x0;
	s12 =	simm.s32 $0x3800  }
0x4: {  	s13 =	simm.s32 $0x1;
	s6 =	sand.u32 $0x1, s1;
	s1 =	rddreg [dreg:$0x3]  }
0x5: {  	s14 =	simm.s32 $0x0;
	s28 =	sshll.u32 s0, $0x1;
	[smem:$0x7FF] =	sst s3  }
0x6: {  	s8 =	smul.u32 $0x70000, s0;
	s30 =	sshll.u32 s0, $0xF;
	s31 =	sshll.u32 s0, $0xC  }
0x7: {  	s7 =	sor.u32 s6, s28;
	s9 =	ssub.s32 $0x2, s6;
	s6 =	smul.u32 $0x38000, s6  }
0x8: {  	s11 =	sshll.u32 s0, $0x6;
	_ =	strace $0x8000004A;
	s7 =	smul.u32 $0x3800, s7  }
0x9: {  	s10 =	sadd.s32 s30, s2;
	s4 =	sadd.s32 s4, s31;
	s8 =	sadd.s32 s8, s5  }
0xa: {  	s29 =	sshrl.u32 s9, $0x1;
	s8 =	sadd.s32 s6, s8;
	s7 =	sshrl.u32 s7, $0x3  }
0xb: {  	s9 =	ssub.s32 s9, s29;
	s8 =	sadd.s32 $0x5EA00, s8;
	s7 =	sadd.s32 s7, s5  }
0xc: {  	s5 =	sor.u32 $0x1C02, s11;
	s11 =	simm.s32 $0x200;
	s6 =	sadd.s32 $0x30200, s7  }
0xd: {  	s7 =	smax.u32 s9, $0x1;
	s9 =	sshrl.u32 s10, $0x3;
	s10 =	simm.s32 $0x2  }
.LBB2_1:
0xe: {  	[spmem:s9], [sflag:s5] =	dma.local [hbm:s4], $0x1000  }
0xf: {  	_ =	swait.ge [sflag:s10], $0x1000  }
0x10: {  	[sflag:s10] =	ssyncset.done $0x0  }
0x11: {  	[sflag:s10] =	ssyncadd.s32 $0xFFFFF000  }
0x12: {  	[tilespmem:s3], [sflag:$0x2] =	stream.linear.gather [hbm4b:s6+s3], $0x3800, $0x38;
	[tilespmem:$0x1B800] =	vst v63  }
0x13: {  	_ =	swait.ge [sflag:s10], $0x3800  }
0x14: {  	[sflag:s10] =	ssyncset.done $0x0  }
0x15: {  	[sflag:s10] =	ssyncadd.s32 $0xFFFFC800  }
0x16: {  	s15 =	simm.s32 $0x0;
	[bflag:$0x0] =	sbarrier.arrive $0xFFFF  }
0x17: {  	[tilespmem:s12], [sflag:$0x1] =	stream.indirect.gather [spmem:s2], $0x80, s15, s11, $0xb8;
	[tilespmem:$0x1B800] =	vst v63  }
0x18: {  	_ =	swait.ge [sflag:s13], $0x10000  }
0x19: {  	[sflag:s13] =	ssyncset.done $0x0  }
0x1a: {  	[sflag:s13] =	ssyncadd.s32 $0xFFFF0000  }
0x1b: {  	[hbm4b:s8+s3] =	stream.linear.scatter [tilespmem:s12], [sflag:$0x2], $0x10000, $0x38;
	[tilespmem:$0x1B800] =	vst v63  }
0x1c: {  	s16 =	simm.s32 $0x800;
	_ =	swait.ge [sflag:s10], $0x10000  }
0x1d: {  	s17 =	simm.s32 $0x1000;
	s15 =	sadd.s32 $0x2000, s8;
	[sflag:s10] =	ssyncset.done $0x0  }
.LBB2_2:
0x1e: {  	s18 =	sshra.s32 s16, $0x2  }
0x1f: {  	[sflag:s10] =	ssyncadd.s32 $0xFFFF0000;
	s16 =	smov.u32 s17;
	s19 =	sadd.s32 $0x800, s17  }
0x20: {  	[tilespmem:s12], [sflag:$0x1] =	stream.indirect.gather [spmem:s2], $0x80, s18, s11, $0xb8;
	[tilespmem:$0x1B800] =	vst v63  }
0x21: {  	p0 =	sne.s32 s17, $0xD800;
	_ =	swait.ge [sflag:s13], $0x10000  }
.Ltmp0:
0x22: {  	[sflag:s13] =	ssyncset.done $0x0;
	(pc) =	sbr.rel @p0 .LBB2_2-.Ltmp0, $4  }
0x23: {  	[sflag:s13] =	ssyncadd.s32 $0xFFFF0000  }
0x24: {  	[hbm4b:s15+s3] =	stream.linear.scatter [tilespmem:s12], [sflag:$0x2], $0x10000, $0x38;
	[tilespmem:$0x1B800] =	vst v63  }
0x25: {  	_ =	swait.ge [sflag:s10], $0x10000  }
0x26: {  	s17 =	smov.u32 s19;
	s15 =	sadd.s32 $0x2000, s15;
	[sflag:s10] =	ssyncset.done $0x0  }
0x27: {  	s16 =	sshra.s32 s16, $0x2;
	[sflag:s10] =	ssyncadd.s32 $0xFFFF0000  }
0x28: {  	[tilespmem:s12], [sflag:$0x1] =	stream.indirect.gather [spmem:s2], $0x80, s16, s11, $0xb8;
	[tilespmem:$0x1B800] =	vst v63  }
0x29: {  	s14 =	sadd.s32 $0x1, s14;
	_ =	swait.ge [sflag:s13], $0x10000  }
0x2a: {  	p0 =	sne.s32 s14, s7;
	[sflag:s13] =	ssyncset.done $0x0  }
.Ltmp1:
0x2b: {  	[sflag:s13] =	ssyncadd.s32 $0xFFFF0000;
	(pc) =	sbr.rel @p0 .LBB2_1-.Ltmp1, $4  }
0x2c: {  	[hbm4b:s15+s3] =	stream.linear.scatter [tilespmem:s12], [sflag:$0x2], $0x10000, $0x38;
	[tilespmem:$0x1B800] =	vst v63  }
0x2d: {  	_ =	swait.ge [sflag:s10], $0x10000  }
0x2e: {  	[sflag:s10] =	ssyncset.done $0x0  }
0x2f: {  	[sflag:s10] =	ssyncadd.s32 $0xFFFF0000  }
0x30: {  	_ =	sfence.sel $0x180000  }
0x31: {  	[bflag:$0x0] =	sbarrier.arrive $0xFFFF  }
0x32: {  	p0 =	sne.s32 s0, $0x0;
	_ =	strace $0x9000004A  }
0x33: {  	s0 =	sadd.s32 @!p0 $0x100000, s1;
	[bflag:$0x2] =	sbarrier.arrive $0xFFFF  }
0x34: {  	[sflag:s0] =	ssyncadd.tile.s32 @!p0 $0x1;
	_ =	shalt  }
.Lfunc_end2:
_tile_overlayer_lowered:
.L_overlay_start_2:
0x35: {  	(tag) =	ssettag $0x2  }
0x36: {  	s0 =	rddreg [dreg:$0x0];
	s2 =	stileid.u32  }
0x37: {  	s1 =	rddreg [dreg:$0x1];
	p0 =	sne.s32 s2, $0x0  }
0x38: {  	s3 =	rddreg [dreg:$0x2];
	[bflag:$0x3] =	sbarrier.arrive $0xFFFF;
	s2 =	simm.s32 @!p0 $0x1C02  }
0x39: {  	[timem:s3], [sflag:s2] =	dma.local @!p0 [hbm:s0], s1  }
0x3a: {  	s0 =	simm.s32 @!p0 $0x2  }
0x3b: {  	_ =	swait.ge @!p0 [sflag:s0], s1  }
0x3c: {  	s1 =	ssub.s32 @!p0 $0x0, s1;
	[sflag:s0] =	ssyncset.done @!p0 $0x0  }
0x3d: {  	[sflag:s0] =	ssyncadd.s32 @!p0 s1  }
0x3e: {  	[bflag:$0x3] =	sbarrier.arrive $0xFFFF  }
0x3f: {  	_ =	shalt  }

// kernel: kernel.7.cloned.1.call-start
scs
__scs_entry_jumppad:
0x0: {  	(pc) =	sbr.rel $0x88, $3  }
0x1: {  	(tag) =	ssettag $0x0;
	lr =	simm.s32 $0x1  }
0x2: {  	[smem:$0x3F8A] =	sst lr;
	_ =	strace $0xD0000000  }
0x3: {  	_ = 	snop  }
0x4: {  	_ = 	snop  }
0x5: {  	_ = 	snop  }
0x6: {  	_ = 	snop  }
0x7: {  	_ = 	snop  }
__scs_overlays_trampoline_lowered:
0x8: {  	[smem:$0x3F99] =	sst s0  }
0x9: {  	[smem:$0x3F9A] =	sst s1  }
0xa: {  	[smem:$0x3F9B] =	sst s2  }
0xb: {  	[smem:$0x3F9C] =	sst s3  }
0xc: {  	[smem:$0x3F9D] =	sst s4  }
0xd: {  	[smem:$0x3F9E] =	sst s5  }
0xe: {  	[smem:$0x3F9F] =	sst s6  }
0xf: {  	[smem:$0x3FA0] =	sst s7  }
0x10: {  	[smem:$0x3FA1] =	sst s8  }
0x11: {  	[smem:$0x3FA2] =	sst s9;
	s0 =	simm.s32 @!p0 $0x0  }
0x12: {  	s1 =	sld [smem:$0x3F88];
	s0 =	simm.s32 @p0 $0x1  }
0x13: {  	[smem:$0x3FA3] =	sst s0;
	s0 =	simm.s32 @!p1 $0x0  }
0x14: {  	s2 =	sld [smem:$0x3F87];
	s0 =	simm.s32 @p1 $0x1  }
0x15: {  	[smem:$0x3FA4] =	sst s0;
	s0 =	simm.s32 @!p2 $0x0  }
0x16: {  	s3 =	sld [smem:$0x3FDB];
	s0 =	simm.s32 @p2 $0x1  }
0x17: {  	s4 =	simm.s32 $0x1BF5;
	[smem:$0x3FA6] =	sst s0  }
0x18: {  	s0 =	sld [smem:$0x3F89];
	_ =	swait.ge [sflag:s4], $0x0  }
0x19: {  	s7 =	sld [smem:$0x3F8A]  }
0x1a: {  	s8 =	sadd.s32 $0xFFFFE003, lr  }
0x1b: {  	s9 =	sadd.s32 $0xFFFFFEF7, lr;
	s5 =	simm.s32 $0xFFFFFFFF;
	p2 =	slt.u32 s8, $0xFFFFF086  }
0x1c: {  	p1 =	slt.u32 s9, $0xF7A;
	s5 =	simm.s32 @!p2 $0x0  }
0x1d: {  	s5 =	simm.s32 @p1 $0x1;
	p0 =	seq.s32 s7, s2  }
0x1e: {  	s7 =	smul.u32 @!p0 $0xF7A, s2;
	p2 =	seq.s32 @!p0 s5, $0x0  }
0x1f: {  	s9 =	smul.u32 $0xF7A, s1;
	s8 =	simm.s32 @!p0 $0x1BF5;
	p2 =	por !p2, p0  }
0x20: {  	[sflag:s8] =	ssyncset.s32 @!p0 $0xFFFFF086;
	s6 =	sadd.s32 @!p0 s3, s7;
	s7 =	simm.s32 @!p0 $0x108  }
0x21: {  	s3 =	sadd.s32 s3, s9;
	s6 =	sadd.s32 @!p0 $0x88, s6;
	s7 =	simm.s32 @p2 $0x1082  }
0x22: {  	[simem:s7], [sflag:s8] =	dma.local @!p0 [hbm:s6], $0xF7A  }
0x23: {  	s9 =	sor.u32 $0xD0000000, s2;
	s6 =	simm.s32 $0x108;
	_ =	swait.ge @!p0 [sflag:s8], $0x0  }
0x24: {  	s3 =	sadd.s32 $0x88, s3;
	s6 =	simm.s32 @!p1 $0x1082;
	[sflag:s4] =	ssyncset.s32 $0xFFFFF086  }
0x25: {  	[simem:s6], [sflag:s4] =	dma.local [hbm:s3], $0xF7A  }
0x26: {  	[smem:$0x3F8A] =	sst s1;
	(tag) =	ssettag s2;
	_ =	strace s9  }
0x27: {  	s1 =	sld [smem:$0x3F9A]  }
0x28: {  	s2 =	sld [smem:$0x3F9B]  }
0x29: {  	s4 =	sld [smem:$0x3F9D]  }
0x2a: {  	p0 =	seq.s32 s5, $0x0;
	s5 =	sld [smem:$0x3F9E]  }
0x2b: {  	s6 =	sld [smem:$0x3F9F]  }
0x2c: {  	s7 =	sld [smem:$0x3FA0]  }
0x2d: {  	s3 =	simm.s32 $0x108;
	s8 =	sld [smem:$0x3FA1]  }
0x2e: {  	s3 =	simm.s32 @!p0 $0x1082;
	s9 =	sld [smem:$0x3FA2]  }
0x2f: {  	lr =	sadd.s32 s0, s3;
	s0 =	sld [smem:$0x3F99]  }
0x30: {  	s3 =	sld [smem:$0x3F9C]  }
0x31: {  	[smem:$0x3FA5] =	sst s10  }
0x32: {  	s10 =	sld [smem:$0x3FA3];
	_ =	sdelay $0x3  }
0x33: {  	p0 =	seq.s32 s10, $0x1;
	s10 =	sld [smem:$0x3FA5];
	_ =	sdelay $0x3  }
0x34: {  	[smem:$0x3FA5] =	sst s10  }
0x35: {  	s10 =	sld [smem:$0x3FA4];
	_ =	sdelay $0x3  }
0x36: {  	p1 =	seq.s32 s10, $0x1;
	s10 =	sld [smem:$0x3FA5];
	_ =	sdelay $0x3  }
0x37: {  	[smem:$0x3FA5] =	sst s10  }
0x38: {  	s10 =	sld [smem:$0x3FA6]  }
0x39: {  	_ = 	snop;
	(pc) =	sbr.ind lr, $3  }
0x3a: {  	_ = 	snop  }
0x3b: {  	_ = 	snop  }
0x3c: {  	p2 =	seq.s32 s10, $0x1;
	s10 =	sld [smem:$0x3FA5]  }
0x3d: {  	_ =	shalt  }
0x3e: {  	_ =	shalt  }
0x3f: {  	_ =	shalt  }
0x40: {  	_ =	shalt  }
0x41: {  	_ =	shalt  }
0x42: {  	_ =	shalt  }
0x43: {  	_ =	shalt  }
0x44: {  	_ =	shalt  }
0x45: {  	_ =	shalt  }
0x46: {  	_ =	shalt  }
0x47: {  	_ =	shalt  }
0x48: {  	_ =	shalt  }
0x49: {  	_ =	shalt  }
0x4a: {  	_ =	shalt  }
0x4b: {  	_ =	shalt  }
0x4c: {  	_ =	shalt  }
0x4d: {  	_ =	shalt  }
0x4e: {  	_ =	shalt  }
0x4f: {  	_ =	shalt  }
0x50: {  	_ =	shalt  }
0x51: {  	_ =	shalt  }
0x52: {  	_ =	shalt  }
0x53: {  	_ =	shalt  }
0x54: {  	_ =	shalt  }
0x55: {  	_ =	shalt  }
0x56: {  	_ =	shalt  }
0x57: {  	_ =	shalt  }
0x58: {  	_ =	shalt  }
0x59: {  	_ =	shalt  }
0x5a: {  	_ =	shalt  }
0x5b: {  	_ =	shalt  }
0x5c: {  	_ =	shalt  }
0x5d: {  	_ =	shalt  }
0x5e: {  	_ =	shalt  }
0x5f: {  	_ =	shalt  }
0x60: {  	_ =	shalt  }
0x61: {  	_ =	shalt  }
0x62: {  	_ =	shalt  }
0x63: {  	_ =	shalt  }
0x64: {  	_ =	shalt  }
0x65: {  	_ =	shalt  }
0x66: {  	_ =	shalt  }
0x67: {  	_ =	shalt  }
0x68: {  	_ =	shalt  }
0x69: {  	_ =	shalt  }
0x6a: {  	_ =	shalt  }
0x6b: {  	_ =	shalt  }
0x6c: {  	_ =	shalt  }
0x6d: {  	_ =	shalt  }
0x6e: {  	_ =	shalt  }
0x6f: {  	_ =	shalt  }
0x70: {  	_ =	shalt  }
0x71: {  	_ =	shalt  }
0x72: {  	_ =	shalt  }
0x73: {  	_ =	shalt  }
0x74: {  	_ =	shalt  }
0x75: {  	_ =	shalt  }
0x76: {  	_ =	shalt  }
0x77: {  	_ =	shalt  }
0x78: {  	_ =	shalt  }
0x79: {  	_ =	shalt  }
0x7a: {  	_ =	shalt  }
0x7b: {  	_ =	shalt  }
0x7c: {  	_ =	shalt  }
0x7d: {  	_ =	shalt  }
0x7e: {  	_ =	shalt  }
0x7f: {  	_ =	shalt  }
0x80: {  	_ =	shalt  }
0x81: {  	_ =	shalt  }
0x82: {  	_ =	shalt  }
0x83: {  	_ =	shalt  }
0x84: {  	_ =	shalt  }
0x85: {  	_ =	shalt  }
0x86: {  	_ =	shalt  }
0x87: {  	_ =	shalt  }
.Lfunc_end0:
.L_simem_size_0:
called_computation_lowered:
.L_overlay_start_0:
0x88: {  	s2 =	sld [smem:$0x3FD9]  }
0x89: {  	s3 =	sld [smem:$0x3FFE];
	_ =	sdelay $0x1  }
0x8a: {  	s1 =	srdreg.scid  }
0x8b: {  	s0 =	sand.u32 $0x1, s1  }
0x8c: {  	s16 =	sshll.u32 s0, $0xA;
	s2 =	sadd.s32 s3, s2  }
0x8d: {  	s2 =	sadd.s32 s2, s16  }
0x8e: {  	[smem:$0x3FB1] =	sst s2  }
0x8f: {  	_ = 	snop  }
0x90: {  	(tm) =	ssettm $0x1  }
0x91: {  	s17 =	sld [smem:$0x3FFB];
	_ =	sdelay $0x3  }
0x92: {  	_ =	strace s17  }
0x93: {  	s2 =	sld [smem:$0x3FFC];
	_ =	sdelay $0x3  }
0x94: {  	_ =	strace s2  }
0x95: {  	s2 =	sld [smem:$0x3FFD];
	_ =	sdelay $0x3  }
0x96: {  	_ =	strace s2  }
0x97: {  	_ =	strace $0x8FFFFFFF  }
0x98: {  	s18 =	sld [smem:$0x3FDB];
	_ =	sdelay $0x1  }
0x99: {  	s19 =	simm.s32 $_scs_section_size  }
0x9a: {  	s4 =	simm.s32 $_size__tile_overlayer_lowered;
	s5 =	simm.s32 $_tile_overlayer_lowered  }
0x9b: {  	s22 =	simm.s32 $0x1BFF;
	s21 =	sshll.u32 s5, $0x1;
	s2 =	sadd.s32 s19, s18  }
0x9c: {  	s6 =	simm.s32 $0x0;
	s20 =	sshll.u32 s4, $0x1;
	s4 =	sadd.s32 s21, s2  }
0x9d: {  	[timem:s6], [sflag:s22] =	dma.local [hbm:s4], s20  }
0x9e: {  	_ =	swait.ge [sflag:s22], s20  }
0x9f: {  	s3 =	ssub.s32 $0x0, s20;
	[sflag:s22] =	ssyncset.done $0x0  }
0xa0: {  	[sflag:s22] =	ssyncadd.s32 s3;
	_ =	sdelay $0x1  }
0xa1: {  	s23 =	simm.s32 $0x1B8B  }
0xa2: {  	_ =	swait.ge [sflag:s23], $0x1  }
0xa3: {  	[sflag:s23] =	ssyncset.done $0x0  }
0xa4: {  	s25 =	simm.s32 $0x1B8E;
	s24 =	sld [smem:$0x3FFE];
	[sflag:s23] =	ssyncadd.s32 $0xFFFFFFFF  }
0xa5: {  	s26 =	simm.s32 $execute0_lowered;
	[smem:$0x3FD2] =	sst s25  }
0xa6: {  	s4 =	sshll.u32 s26, $0x1;
	_ =	strace $0x80000046;
	[dreg:$0x1] =	wrdreg $0xFFFFFFFF  }
0xa7: {  	s28 =	simm.s32 $_size_execute0_lowered;
	s2 =	sadd.s32 s2, s4;
	[dreg:$0x0] =	wrdreg $0x0  }
0xa8: {  	s4 =	sshll.u32 s28, $0x1;
	[dreg:$0x2] =	wrdreg s2  }
0xa9: {  	[dreg:$0x3] =	wrdreg s4  }
0xaa: {  	[dreg:$0x4] =	wrdreg $0xC0  }
0xab: {  	_ =	task [dreg:s6], $0x5FFFF  }
0xac: {  	[dreg:$0x1] =	wrdreg $0xFFFFFFFF  }
0xad: {  	[dreg:$0x0] =	wrdreg $0x60  }
0xae: {  	[dreg:$0x2] =	wrdreg s24  }
0xaf: {  	[dreg:$0x3] =	wrdreg $0x9  }
0xb0: {  	_ =	task.clear_ibuf [dreg:s6], $0x4FFFF;
	_ =	strace $0x90000046  }
0xb1: {  	s29 =	simm.s32 $0x9;
	_ =	strace $0x80000048  }
0xb2: {  	_ =	swait.ge [sflag:s29], $0x1  }
0xb3: {  	[sflag:s29] =	ssyncadd.s32 $0xFFFFFFFF  }
0xb4: {  	_ =	strace $0x90000048  }
0xb5: {  	_ =	sfence  }
0xb6: {  	s30 =	sld [smem:$0x0];
	_ =	sdelay $0x2  }
0xb7: {  	s31 =	sshll.u32 s1, $0xD;
	s1 =	sshrl.u32 s1, $0x2  }
0xb8: {  	s3 =	sand.u32 $0x4000, s31;
	s1 =	sadd.s32 s1, s30  }
0xb9: {  	s0 =	sor.u32 s3, s0;
	s1 =	sshll.u32 s1, $0x11  }
0xba: {  	s0 =	sor.u32 s1, s0  }
0xbb: {  	s0 =	sadd.s32 $0x8F2B, s0  }
0xbc: {  	[sflag:s0] =	ssyncadd.remote.s32 $0x1  }
0xbd: {  	_ =	sfence.sel $0xFFFF  }
0xbe: {  	[dreg:$0x0] =	wrdreg $0xFFFFFFFF;
	(pc) =	sbr.abs _section_cstart, $3  }
0xbf: {  	[dreg:$0x1] =	wrdreg $0xFFFFFFFF  }
0xc0: {  	_ =	task.clear_ibuf [dreg:s6], $0x2FFFF;
	_ =	strace $0x9FFFFFFF  }
0xc1: {  	(tm) =	ssettm $0x7FFFFFFF  }
tec
execute0_lowered:
.L_overlay_start_1:
0x0: {  	(tag) =	ssettag $0x1  }
0x1: {  	s0 =	rddreg [dreg:$0x0];
	s2 =	simm.s32 $0x0  }
0x2: {  	s3 =	srdreg.scid;
	s1 =	stileid.u32;
	s14 =	simm.s32 $0x1  }
0x3: {  	s15 =	simm.s32 $0x1000;
	s16 =	simm.s32 $0x2000;
	s17 =	simm.s32 $0x3080  }
0x4: {  	s18 =	simm.s32 $0x4100;
	s19 =	simm.s32 $0x4180;
	s20 =	simm.s32 $0x7980  }
0x5: {  	s21 =	simm.s32 $0xB180;
	s22 =	simm.s32 $0xE980;
	s23 =	simm.s32 $0x0  }
0x6: {  	[smem:$0x7FF] =	sst s2;
	s6 =	sand.u32 $0x1, s3;
	s5 =	sshll.u32 s1, $0x1  }
0x7: {  	s3 =	sadd.s32 $0x5A00, s0;
	s4 =	sadd.s32 $0x5800, s0;
	s8 =	sor.u32 s6, s5  }
0x8: {  	s7 =	sadd.s32 $0x6000, s0;
	s10 =	ssub.s32 $0x2, s6;
	s9 =	smul.u32 $0x700, s8  }
0x9: {  	_ =	strace $0x80000047;
	s5 =	sadd.s32 $0x5E00, s0;
	s11 =	sshrl.u32 s10, $0x1  }
0xa: {  	v0 =	vimm.s32 $0x0;
	v1 =	vimm.f32 $0.0e+00;
	v2 =	vlaneseq.u32;
	s6 =	sadd.s32 $0x5C00, s0;
	s13 =	ssub.s32 s10, s11;
	s0 =	sadd.s32 s9, s0  }
0xb: {  	v3 =	vor.u32 $0x10, v2;
	v4 =	vor.u32 $0x20, v2;
	v5 =	vor.u32 $0x30, v2;
	s8 =	sshll.u32 s8, $0x7;
	s13 =	smax.u32 s13, $0x1;
	s9 =	sadd.s32 $0x30200, s0  }
0xc: {  	v6 =	vor.u32 $0x40, v2;
	v7 =	vor.u32 $0x50, v2;
	v8 =	vor.u32 $0x60, v2;
	s10 =	sadd.s32 $0x6200, s0;
	s11 =	sadd.s32 $0x14200, s0;
	s12 =	sadd.s32 $0x22200, s0  }
.LBB2_1:
0xd: {  	[tilespmem:s2], [sflag:$0x1] =	stream.linear.gather [hbm4b:s5+s2], $0x1000, $0x38;
	[tilespmem:$0x12180] =	vst v63  }
0xe: {  	_ =	swait.ge [sflag:s14], $0x1000  }
0xf: {  	[sflag:s14] =	ssyncset.done $0x0  }
0x10: {  	[sflag:s14] =	ssyncadd.s32 $0xFFFFF000  }
0x11: {  	[tilespmem:s15], [sflag:$0x1] =	stream.linear.gather [hbm4b:s6+s2], $0x1000, $0x38;
	[tilespmem:$0x12180] =	vst v63  }
0x12: {  	_ =	swait.ge [sflag:s14], $0x1000  }
0x13: {  	[sflag:s14] =	ssyncset.done $0x0  }
0x14: {  	[sflag:s14] =	ssyncadd.s32 $0xFFFFF000  }
0x15: {  	[tilespmem:s16], [sflag:$0x1] =	stream.linear.gather [hbm4b:s3+s2], $0x1000, $0x38;
	[tilespmem:$0x12180] =	vst v63  }
0x16: {  	_ =	swait.ge [sflag:s14], $0x1000  }
0x17: {  	[sflag:s14] =	ssyncset.done $0x0  }
0x18: {  	[sflag:s14] =	ssyncadd.s32 $0xFFFFF000  }
0x19: {  	[tilespmem:s17], [sflag:$0x1] =	stream.linear.gather [hbm4b:s4+s2], $0x1000, $0x38;
	[tilespmem:$0x12180] =	vst v63  }
0x1a: {  	_ =	swait.ge [sflag:s14], $0x1000  }
0x1b: {  	[sflag:s14] =	ssyncset.done $0x0  }
0x1c: {  	[sflag:s14] =	ssyncadd.s32 $0xFFFFF000  }
0x1d: {  	[tilespmem:s18], [sflag:$0x1] =	stream.linear.gather [hbm4b:s7+s2], $0x80, $0x38;
	[tilespmem:$0x12180] =	vst v63  }
0x1e: {  	_ =	swait.ge [sflag:s14], $0x80  }
0x1f: {  	[sflag:s14] =	ssyncset.done $0x0  }
0x20: {  	[sflag:s14] =	ssyncadd.s32 $0xFFFFFF80  }
0x21: {  	s0 =	simm.s32 $0x40;
	s25 =	simm.s32 $0x0;
	v9 =	vld [tilespmem:$0x4100]  }
.LBB2_2:
0x22: {  	p0 =	sne.s32 s0, $0xDFC0;
	[tilespmem:s25+$0xB180] =	vst v1;
	s24 =	smov.u32 s0;
	s0 =	sadd.s32 $0x40, s0  }
.Ltmp0:
0x23: {  	[tilespmem:s25+$0x4180] =	vst v0;
	(pc) =	sbr.rel @p0 .LBB2_2-.Ltmp0, $2  }
0x24: {  	[tilespmem:s25+$0x7980] =	vst v1;
	_ =	sdelay $0x2  }
0x25: {  	s25 =	sshra.s32 s24, $0x2  }
0x26: {  	[tilespmem:s25+$0xB180] =	vst v1  }
0x27: {  	[tilespmem:s25+$0x4180] =	vst v0  }
0x28: {  	s24 =	simm.s32 $0x0;
	[tilespmem:s25+$0x7980] =	vst v1;
	s25 =	simm.s32 $0x0  }
.LBB2_4:
0x29: {  	s0 =	sadd.s32 s8, s25;
	v10 =	vld [tilespmem:s24+$0x0]  }
0x2a: {  	v11 =	vld.msk [tilespmem:s0+$0x2000 ss:$0x0], $0xffff  }
0x2b: {  	s26 =	simm.s32 $0x1000;
	v12 =	vld.msk [tilespmem:s0+$0x3080 ss:$0x0], $0xffff  }
0x2c: {  	v13 =	vld [tilespmem:s26+$0x0];
	_ =	sdelay $0x4  }
0x2d: {  	v14 =	vsub.f32 v11, v10;
	v13 =	vsub.f32 v12, v13;
	_ =	sdelay $0x1  }
0x2e: {  	v10 =	vmul.f32 v14, v14;
	v15 =	vmul.f32 v13, v13;
	_ =	sdelay $0x1  }
0x2f: {  	v10 =	vadd.f32 v15, v10  }
0x30: {  	s26 =	smul.u32 $0x70, s25  }
0x31: {  	vm0 =	vle.f32 v10, v9  }
0x32: {  	v10 =	vmov s26;
	_ =	sdelay $0x2  }
0x33: {  	p0 =	por $0x1, $0x1;
	s0 =	simm.s32 $0x0  }
0x34: {  	s0 =	simm.s32 @!p0 $0x60;
	v15 =	vor.u32 s24, v2  }
0x35: {  	[tilespmem:v10+s0+$0x4180 ss:$0x1] =	vst.idx.msk vm0, v15  }
0x36: {  	[tilespmem:v10+s0+$0x7980 ss:$0x1] =	vst.idx.msk vm0, v14;
	v14 =	vmpcnt.ones.xlane vm0;
	_ =	sdelay $0x1  }
0x37: {  	(v2sf) =	vpush v14, $0x0;
	_ =	sdelay $0x4  }
0x38: {  	s28 =	simm.s32 $0x10;
	[tilespmem:v10+s0+$0xB180 ss:$0x1] =	vst.idx.msk vm0, v13  }
0x39: {  	s30 =	simm.s32 $0x1010;
	v13 =	vld [tilespmem:s28+$0x0]  }
0x3a: {  	s31 =	simm.s32 $0x20;
	s29 =	simm.s32 $0x0;
	s0 =	simm.s32 $0x10;
	v14 =	vld [tilespmem:s30+$0x0]  }
.LBB2_5:
0x3b: {  	p0 =	sne.s32 s31, $0xFF0;
	_ =	sdelay $0x3  }
0x3c: {  	v13 =	vsub.f32 v11, v13;
	v14 =	vsub.f32 v12, v14;
	_ =	sdelay $0x1  }
0x3d: {  	v15 =	vmul.f32 v13, v13;
	v16 =	vmul.f32 v14, v14  }
0x3e: {  	s1 =	spop (v2sf)  }
0x3f: {  	v15 =	vadd.f32 v16, v15;
	s29 =	sadd.s32 s29, s1  }
0x40: {  	p1 =	slt.s32 s29, $0x60;
	s1 =	smov.u32 s29  }
0x41: {  	vm0 =	vle.f32 v15, v9;
	s1 =	simm.s32 @!p1 $0x60  }
0x42: {  	v15 =	vmpcnt.ones.xlane vm0;
	_ =	sdelay $0x1  }
0x43: {  	(v2sf) =	vpush v15, $0x0;
	_ =	sdelay $0x1  }
0x44: {  	v15 =	vor.u32 s28, v2;
	s28 =	smov.u32 s31  }
.Ltmp1:
0x45: {  	[tilespmem:v10+s1+$0x4180 ss:$0x1] =	vst.idx.msk vm0, v15;
	(pc) =	sbr.rel @p0 .LBB2_5-.Ltmp1, $4  }
0x46: {  	[tilespmem:v10+s1+$0x7980 ss:$0x1] =	vst.idx.msk vm0, v13  }
0x47: {  	s0 =	sadd.s32 $0x10, s0;
	[tilespmem:v10+s1+$0xB180 ss:$0x1] =	vst.idx.msk vm0, v14  }
0x48: {  	s30 =	sadd.s32 $0x10, s30;
	v13 =	vld [tilespmem:s0+$0x0]  }
0x49: {  	s31 =	sadd.s32 $0x10, s31;
	v14 =	vld [tilespmem:s30+$0x0]  }
0x4a: {  	_ =	sdelay $0x3  }
0x4b: {  	v11 =	vsub.f32 v11, v13;
	v12 =	vsub.f32 v12, v14;
	_ =	sdelay $0x1  }
0x4c: {  	v13 =	vmul.f32 v11, v11;
	v14 =	vmul.f32 v12, v12;
	_ =	sdelay $0x1  }
0x4d: {  	v13 =	vadd.f32 v14, v13;
	_ =	sdelay $0x1  }
0x4e: {  	vm0 =	vle.f32 v13, v9  }
0x4f: {  	v13 =	vmpcnt.ones.xlane vm0;
	_ =	sdelay $0x1  }
0x50: {  	(v2sf) =	vpush v13, $0x0;
	_ =	sdelay $0xd  }
0x51: {  	s0 =	spop (v2sf)  }
0x52: {  	s0 =	sadd.s32 s29, s0;
	s1 =	spop (v2sf)  }
0x53: {  	s1 =	sadd.s32 s0, s1  }
0x54: {  	p0 =	slt.s32 s0, $0x60;
	p1 =	slt.s32 s1, $0x60  }
0x55: {  	v62 =	vor.u32 s28, v2;
	s0 =	simm.s32 @!p0 $0x60;
	s1 =	simm.s32 @!p1 $0x60  }
0x56: {  	[tilespmem:v10+s0+$0x4180 ss:$0x1] =	vst.idx.msk vm0, v62;
	v63 =	vmov s1  }
0x57: {  	[tilespmem:v10+s0+$0x7980 ss:$0x1] =	vst.idx.msk vm0, v11;
	vm1 =	vgt.s32 v63, v2  }
0x58: {  	[tilespmem:v10+s0+$0xB180 ss:$0x1] =	vst.idx.msk vm0, v12;
	vm10 =	vgt.s32 v63, v3;
	v10 =	vsel vm1, $0x3F800000, v0  }
0x59: {  	s25 =	sadd.s32 $0x1, s25;
	vm11 =	vgt.s32 v63, v4;
	[tilespmem:s26+$0xE980] =	vst v10;
	v10 =	vsel vm10, $0x3F800000, v0  }
0x5a: {  	p0 =	sne.s32 s25, $0x80;
	vm12 =	vgt.s32 v63, v5;
	[tilespmem:s26+$0xE990] =	vst v10;
	v10 =	vsel vm11, $0x3F800000, v0  }
.Ltmp2:
0x5b: {  	vm13 =	vgt.s32 v63, v6;
	[tilespmem:s26+$0xE9A0] =	vst v10;
	v10 =	vsel vm12, $0x3F800000, v0;
	(pc) =	sbr.rel @p0 .LBB2_4-.Ltmp2, $4  }
0x5c: {  	vm14 =	vgt.s32 v63, v7;
	[tilespmem:s26+$0xE9B0] =	vst v10;
	v10 =	vsel vm13, $0x3F800000, v0  }
0x5d: {  	vm15 =	vgt.s32 v63, v8;
	[tilespmem:s26+$0xE9C0] =	vst v10;
	v10 =	vsel vm14, $0x3F800000, v0  }
0x5e: {  	[tilespmem:s26+$0xE9D0] =	vst v10;
	v10 =	vsel vm15, $0x3F800000, v0  }
0x5f: {  	[tilespmem:s26+$0xE9E0] =	vst v10  }
0x60: {  	[hbm4b:s9+s2] =	stream.linear.scatter [tilespmem:s19], [sflag:$0x1], $0x3800, $0x38;
	[tilespmem:$0x12180] =	vst v63  }
0x61: {  	_ =	swait.ge [sflag:s14], $0x3800  }
0x62: {  	[sflag:s14] =	ssyncset.done $0x0  }
0x63: {  	[sflag:s14] =	ssyncadd.s32 $0xFFFFC800  }
0x64: {  	[hbm4b:s10+s2] =	stream.linear.scatter [tilespmem:s20], [sflag:$0x1], $0x3800, $0x38;
	[tilespmem:$0x12180] =	vst v63  }
0x65: {  	_ =	swait.ge [sflag:s14], $0x3800  }
0x66: {  	[sflag:s14] =	ssyncset.done $0x0  }
0x67: {  	[sflag:s14] =	ssyncadd.s32 $0xFFFFC800  }
0x68: {  	[hbm4b:s11+s2] =	stream.linear.scatter [tilespmem:s21], [sflag:$0x1], $0x3800, $0x38;
	[tilespmem:$0x12180] =	vst v63  }
0x69: {  	s23 =	sadd.s32 $0x1, s23;
	_ =	swait.ge [sflag:s14], $0x3800  }
0x6a: {  	p0 =	sne.s32 s23, s13;
	[sflag:s14] =	ssyncset.done $0x0  }
.Ltmp3:
0x6b: {  	[sflag:s14] =	ssyncadd.s32 $0xFFFFC800;
	(pc) =	sbr.rel @p0 .LBB2_1-.Ltmp3, $4  }
0x6c: {  	[hbm4b:s12+s2] =	stream.linear.scatter [tilespmem:s22], [sflag:$0x1], $0x3800, $0x38;
	[tilespmem:$0x12180] =	vst v63  }
0x6d: {  	_ =	swait.ge [sflag:s14], $0x3800  }
0x6e: {  	[sflag:s14] =	ssyncset.done $0x0  }
0x6f: {  	[sflag:s14] =	ssyncadd.s32 $0xFFFFC800  }
0x70: {  	_ =	sfence.sel $0x180000  }
0x71: {  	[bflag:$0x0] =	sbarrier.arrive $0xFFFF  }
0x72: {  	_ =	strace $0x90000047  }
0x73: {  	s0 =	stileid.u32;
	[bflag:$0x2] =	sbarrier.arrive $0xFFFF  }
0x74: {  	p0 =	sne.s32 s0, $0x0;
	s0 =	rddreg [dreg:$0x1]  }
0x75: {  	s0 =	sadd.s32 @!p0 $0x100000, s0  }
0x76: {  	[sflag:s0] =	ssyncadd.tile.s32 @!p0 $0x1;
	_ =	shalt  }
.Lfunc_end2:
_tile_overlayer_lowered:
.L_overlay_start_2:
0x77: {  	(tag) =	ssettag $0x2  }
0x78: {  	s0 =	rddreg [dreg:$0x0];
	s2 =	stileid.u32  }
0x79: {  	s1 =	rddreg [dreg:$0x1];
	p0 =	sne.s32 s2, $0x0  }
0x7a: {  	s3 =	rddreg [dreg:$0x2];
	[bflag:$0x3] =	sbarrier.arrive $0xFFFF;
	s2 =	simm.s32 @!p0 $0x1C01  }
0x7b: {  	[timem:s3], [sflag:s2] =	dma.local @!p0 [hbm:s0], s1  }
0x7c: {  	s0 =	simm.s32 @!p0 $0x1  }
0x7d: {  	_ =	swait.ge @!p0 [sflag:s0], s1  }
0x7e: {  	s1 =	ssub.s32 @!p0 $0x0, s1;
	[sflag:s0] =	ssyncset.done @!p0 $0x0  }
0x7f: {  	[sflag:s0] =	ssyncadd.s32 @!p0 s1  }
0x80: {  	[bflag:$0x3] =	sbarrier.arrive $0xFFFF  }
0x81: {  	_ =	shalt  }

</sc_bundles>
